<compile_context>
chip_gen: v7x
topology: tpu7x:2x2x1
jax: 0.10.2.dev20260603
libtpu: 0.0.44.dev20260713+nightly
codegen_flags: <defaults>
</compile_context>

<pallas_src>
import jax
import jax.numpy as jnp
from jax.experimental import pallas as pl
from jax.experimental.pallas import tpu as pltpu
from jax.experimental.pallas import tpu_sc as plsc

_B, _C, _H, _W, _E = 2, 192, 224, 224, 8
_HW = _H * _W
_NB1 = 3584
_NB2 = 3584
_CTC = 160
_CSC = _C - _CTC
_NROWS = _B * _CSC
_NWORK = 32
_RPW = _NROWS // _NWORK
_CHUNK = 6272
_NCH = _HW // _CHUNK


def _sc_partial_sums(x2):
    mesh = plsc.VectorSubcoreMesh(core_axis_name="core",
                                  subcore_axis_name="subcore")

    @pl.kernel(out_type=jax.ShapeDtypeStruct((_B, _CSC, 16), jnp.float32),
               mesh=mesh,
               scratch_types=[pltpu.VMEM((2, _CHUNK), jnp.float32),
                              pltpu.VMEM((4, 16), jnp.float32),
                              pltpu.SemaphoreType.DMA((2,)),
                              pltpu.SemaphoreType.DMA])
    def sc_reduce(x_hbm, o_hbm, buf_ref, acc_ref, sems, osem):
        core = jax.lax.axis_index("core")
        sub = jax.lax.axis_index("subcore")
        base = (core * 16 + sub) * _RPW

        def accumulate(slot):
            @pl.loop(0, _CHUNK // 16, step=4)
            def _(t):
                for u in range(4):
                    acc_ref.at[u][...] += buf_ref.at[slot][
                        pl.ds((t + u) * 16, 16)]

        @pl.loop(0, _RPW)
        def _(k):
            rid = base + k
            b = rid // _CSC
            cc = rid - b * _CSC
            flat = b * _C + _CTC + cc
            for u in range(4):
                acc_ref.at[u][...] = jnp.zeros((16,), jnp.float32)
            pltpu.async_copy(x_hbm.at[flat, pl.ds(0, _CHUNK)],
                             buf_ref.at[0], sems.at[0])

            @pl.loop(0, _NCH // 2)
            def _(q):
                pltpu.async_copy(
                    x_hbm.at[flat, pl.ds((2 * q + 1) * _CHUNK, _CHUNK)],
                    buf_ref.at[1], sems.at[1])
                pltpu.make_async_copy(
                    x_hbm.at[flat, pl.ds(2 * q * _CHUNK, _CHUNK)],
                    buf_ref.at[0], sems.at[0]).wait()
                accumulate(0)

                @pl.when(q + 1 < _NCH // 2)
                def _():
                    pltpu.async_copy(
                        x_hbm.at[flat, pl.ds((2 * q + 2) * _CHUNK, _CHUNK)],
                        buf_ref.at[0], sems.at[0])

                pltpu.make_async_copy(
                    x_hbm.at[flat, pl.ds((2 * q + 1) * _CHUNK, _CHUNK)],
                    buf_ref.at[1], sems.at[1]).wait()
                accumulate(1)

            acc_ref.at[0][...] += acc_ref.at[1][...]
            acc_ref.at[2][...] += acc_ref.at[3][...]
            acc_ref.at[0][...] += acc_ref.at[2][...]
            pltpu.async_copy(acc_ref.at[0], o_hbm.at[b, cc], osem).wait()

    return sc_reduce(x2)


def _tc_reduce_body(x_ref, sums_ref, acc_ref):
    h = pl.program_id(0)

    @pl.when(h == 0)
    def _():
        acc_ref[...] = jnp.zeros_like(acc_ref)

    acc_ref[...] += jnp.sum(x_ref[...], axis=2)

    @pl.when(h == pl.num_programs(0) - 1)
    def _():
        sums_ref[...] = acc_ref[...]


def _combine_body(tcs_ref, scp_ref, wctl_ref, bctl_ref, dec_ref):
    w_tc = wctl_ref[:, :_CTC]
    w_sc = wctl_ref[:, _CTC:]
    ctl = jax.lax.dot_general(
        tcs_ref[...], w_tc, (((1,), (1,)), ((), ())),
        preferred_element_type=jnp.float32)
    sc_sums = jnp.sum(scp_ref[...], axis=2)
    ctl += jax.lax.dot_general(
        sc_sums, w_sc, (((1,), (1,)), ((), ())),
        preferred_element_type=jnp.float32)
    ctl = ctl * (1.0 / _HW) + bctl_ref[...]
    mx = jnp.max(ctl, axis=1, keepdims=True)
    idx = jax.lax.broadcasted_iota(jnp.int32, (_B, _E), 1)
    dec_ref[0, :] = jnp.min(jnp.where(ctl == mx, idx, _E), axis=1)


def _expert_body(dec_ref, x_ref, w0_ref, w1_ref, b0_ref, b1_ref, o_ref):
    dims = (((1,), (0,)), ((), ()))
    for i, (w_ref, b_ref) in enumerate(((w0_ref, b0_ref), (w1_ref, b1_ref))):
        w = w_ref[0]
        bias = b_ref[0]
        for b in range(_B):
            y = jax.lax.dot_general(w, x_ref[b], dims,
                                    preferred_element_type=jnp.float32)
            o_ref[i * _B + b] = y + bias


def kernel(x, W_ctl, b_ctl, W_comp, b_comp):
    x3 = x.reshape(_B, _C, _HW)

    tc_sums = pl.pallas_call(
        _tc_reduce_body,
        grid=(_HW // _NB1,),
        in_specs=[pl.BlockSpec((_B, _CTC, _NB1), lambda h: (0, 0, h))],
        out_specs=pl.BlockSpec((_B, _CTC), lambda h: (0, 0)),
        out_shape=jax.ShapeDtypeStruct((_B, _CTC), jnp.float32),
        scratch_shapes=[pltpu.VMEM((_B, _CTC), jnp.float32)],
    )(x3)
    scp = _sc_partial_sums(x.reshape(_B * _C, _HW))

    dec = pl.pallas_call(
        _combine_body,
        out_shape=jax.ShapeDtypeStruct((1, _B), jnp.int32),
    )(tc_sums, scp, W_ctl, b_ctl.reshape(1, _E)).reshape(_B)

    b3 = b_comp.reshape(_E, _C, 1)
    grid_spec = pltpu.PrefetchScalarGridSpec(
        num_scalar_prefetch=1,
        grid=(_HW // _NB2,),
        in_specs=[
            pl.BlockSpec((_B, _C, _NB2), lambda h, d: (0, 0, h)),
            pl.BlockSpec((1, _C, _C), lambda h, d: (d[0], 0, 0)),
            pl.BlockSpec((1, _C, _C), lambda h, d: (d[1], 0, 0)),
            pl.BlockSpec((1, _C, 1), lambda h, d: (d[0], 0, 0)),
            pl.BlockSpec((1, _C, 1), lambda h, d: (d[1], 0, 0)),
        ],
        out_specs=pl.BlockSpec((_B * _B, _C, _NB2), lambda h, d: (0, 0, h)),
    )
    out = pl.pallas_call(
        _expert_body,
        grid_spec=grid_spec,
        out_shape=jax.ShapeDtypeStruct((_B * _B, _C, _HW), jnp.float32),
    )(dec, x3, W_comp, W_comp, b3, b3)
    return out.reshape(_B * _B, _C, _H, _W)

# --- scband reference (transcript-rebuilt; emitter-appended) ---
"""Pipeline reference for scband-modular-net-controller-26645977105099 (READ-ONLY COPY).

The authoritative reference and input builder live on the scoring server;
editing this copy changes nothing except your own understanding.
"""

import jax, jax.numpy as jnp
import numpy as np

B, C, H, W, E = 2, 192, 224, 224, 8


def setup_inputs(seed: int = 0) -> dict:
    key = jax.random.key(seed)
    ks = jax.random.split(key, 5)
    x = jax.random.normal(ks[0], (B, C, H, W), dtype=jnp.float32)
    # controller: 1x1 conv C -> E (weight squeezed to [E, C]) + bias
    W_ctl = jax.random.normal(ks[1], (E, C), dtype=jnp.float32) * (1.0 / np.sqrt(C))
    b_ctl = jax.random.normal(ks[2], (E,), dtype=jnp.float32) * 0.01
    # E component modules: each a 1x1 conv C -> C (weights stacked [E, C_out, C_in]) + bias
    W_comp = jax.random.normal(ks[3], (E, C, C), dtype=jnp.float32) * (1.0 / np.sqrt(C))
    b_comp = jax.random.normal(ks[4], (E, C), dtype=jnp.float32) * 0.01
    return {"x": x, "W_ctl": W_ctl, "b_ctl": b_ctl, "W_comp": W_comp, "b_comp": b_comp}


def reference(x, W_ctl, b_ctl, W_comp, b_comp):
    # self.controller = Conv2d(C, E, k=1) -> AdaptiveAvgPool2d(1); then view(B, -1)
    ctl = jnp.einsum('bchw,ec->behw', x, W_ctl) + b_ctl[None, :, None, None]
    ctl_prob = jnp.mean(ctl, axis=(2, 3))  # [B, E]
    # _, ctl_decisions = ctl_prob.max(dim=1)
    decisions = jnp.argmax(ctl_prob, axis=1)  # [B]
    # for each per-sample decision, apply the chosen component to the FULL batch x
    outs = []
    for i in range(x.shape[0]):
        d = decisions[i]
        Wd = W_comp[d]          # [C_out, C_in] (gather)
        bd = b_comp[d]          # [C_out]
        y = jnp.einsum('bchw,oc->bohw', x, Wd) + bd[None, :, None, None]
        outs.append(y)
    return jnp.concatenate(outs, axis=0)  # [B*B, C, H, W]

if __name__ == "__main__":
    import jax
    _d = setup_inputs()
    print(jax.jit(kernel)(*tuple(_d.values())))

</pallas_src>

<mosaic_0001>
#map = affine_map<(d0, d1) -> (0, 0)>
#map1 = affine_map<(d0, d1) -> (0, 0, 0)>
module attributes {stable_mosaic.version = 14 : i64} {
  func.func @sc_reduce(%arg0: i32, %arg1: i32, %arg2: memref<384x50176xf32, #tpu.memory_space<hbm>>, %arg3: memref<2x32x16xf32, #tpu.memory_space<hbm>>, %arg4: memref<2x6272xf32, #tpu.memory_space<vmem>>, %arg5: memref<4x16xf32, #tpu.memory_space<vmem>>, %arg6: memref<2x!tpu.dma_semaphore, #tpu.memory_space<semaphore_mem>>, %arg7: memref<!tpu.dma_semaphore, #tpu.memory_space<semaphore_mem>>) attributes {dimension_semantics = [#tpu.dimension_semantics<core_parallel>, #tpu.dimension_semantics<subcore_parallel>], iteration_bounds = array<i64: 2, 16>, scalar_prefetch = 0 : i64, scratch_operands = 4 : i64, tpu.core_type = #tpu.core_type<sc_vector_subcore>, window_params = [{transform_indices = #map}, {transform_indices = #map1}]} {
    %mul3A = arith.constant 16 : i32
    %mul3A_0 = arith.muli %arg0, %mul3A : i32
    %add3A = arith.addi %mul3A_0, %arg1 : i32
    %mul3A_1 = arith.constant 2 : i32
    %mul3A_2 = arith.muli %add3A, %mul3A_1 : i32
    %scan3A = arith.constant 0 : i32
    %scan3A_3 = arith.constant 2 : i32
    %scan3A_4 = arith.addi %scan3A, %scan3A_3 : i32
    %scan3A_5 = arith.constant 1 : i32
    scf.for %scan3A_7 = %scan3A to %scan3A_4 step %scan3A_5  : i32 {
      %mul3A_8 = arith.constant 1 : i32
      %mul3A_9 = arith.muli %scan3A_7, %mul3A_8 : i32
      %add3A_10 = arith.constant 0 : i32
      %add3A_11 = arith.addi %add3A_10, %mul3A_9 : i32
      %add3A_12 = arith.addi %mul3A_2, %add3A_11 : i32
      %jit3A = arith.constant 32 : i32
      %div3A = arith.divsi %add3A_12, %jit3A : i32
      %sign3A = arith.constant 0 : i32
      %sign3A_13 = arith.cmpi sgt, %add3A_12, %sign3A : i32
      %sign3A_14 = arith.extui %sign3A_13 : i1 to i32
      %sign3A_15 = arith.constant 0 : i32
      %sign3A_16 = arith.cmpi slt, %add3A_12, %sign3A_15 : i32
      %sign3A_17 = arith.extui %sign3A_16 : i1 to i32
      %sign3A_18 = arith.subi %sign3A_14, %sign3A_17 : i32
      %sign3A_19 = arith.constant 0 : i32
      %sign3A_20 = arith.cmpi sgt, %jit3A, %sign3A_19 : i32
      %sign3A_21 = arith.extui %sign3A_20 : i1 to i32
      %sign3A_22 = arith.constant 0 : i32
      %sign3A_23 = arith.cmpi slt, %jit3A, %sign3A_22 : i32
      %sign3A_24 = arith.extui %sign3A_23 : i1 to i32
      %sign3A_25 = arith.subi %sign3A_21, %sign3A_24 : i32
      %ne3A = arith.cmpi ne, %sign3A_18, %sign3A_25 : i32
      %rem3A = arith.remsi %add3A_12, %jit3A : i32
      %ne3A_26 = arith.constant 0 : i32
      %ne3A_27 = arith.cmpi ne, %rem3A, %ne3A_26 : i32
      %and3A = arith.andi %ne3A, %ne3A_27 : i1
      %sub3A = arith.constant 1 : i32
      %sub3A_28 = arith.subi %div3A, %sub3A : i32
      %select_n3A = arith.select %and3A, %sub3A_28, %div3A : i32
      %mul3A_29 = arith.constant 32 : i32
      %mul3A_30 = arith.muli %select_n3A, %mul3A_29 : i32
      %sub3A_31 = arith.subi %add3A_12, %mul3A_30 : i32
      %mul3A_32 = arith.constant 192 : i32
      %mul3A_33 = arith.muli %select_n3A, %mul3A_32 : i32
      %add3A_34 = arith.constant 160 : i32
      %add3A_35 = arith.addi %mul3A_33, %add3A_34 : i32
      %add3A_36 = arith.addi %add3A_35, %sub3A_31 : i32
      %broadcast_in_dim3A = arith.constant 0.000000e+00 : f32
      %broadcast_in_dim3A_37 = vector.broadcast %broadcast_in_dim3A : f32 to vector<16xf32>
      %swap3A = arith.constant 0 : i32
      %swap3A_38 = arith.index_cast %swap3A : i32 to index
      %swap3A_39 = arith.constant 0 : index
      %swap3A_40 = tpu.vector_load %arg5[%swap3A_38, %swap3A_39] {strides = array<i32>} : memref<4x16xf32, #tpu.memory_space<vmem>>, vector<1x16xf32>,
      %swap3A_41 = vector.shape_cast %swap3A_40 : vector<1x16xf32> to vector<16xf32>
      %swap3A_42 = vector.shape_cast %broadcast_in_dim3A_37 : vector<16xf32> to vector<1x16xf32>
      tpu.vector_store %arg5[%swap3A_38, %swap3A_39], %swap3A_42 {strides = array<i32>} : memref<4x16xf32, #tpu.memory_space<vmem>>, vector<1x16xf32>,
      %broadcast_in_dim3A_43 = arith.constant 0.000000e+00 : f32
      %broadcast_in_dim3A_44 = vector.broadcast %broadcast_in_dim3A_43 : f32 to vector<16xf32>
      %swap3A_45 = arith.constant 1 : i32
      %swap3A_46 = arith.index_cast %swap3A_45 : i32 to index
      %swap3A_47 = arith.constant 0 : index
      %swap3A_48 = tpu.vector_load %arg5[%swap3A_46, %swap3A_47] {strides = array<i32>} : memref<4x16xf32, #tpu.memory_space<vmem>>, vector<1x16xf32>,
      %swap3A_49 = vector.shape_cast %swap3A_48 : vector<1x16xf32> to vector<16xf32>
      %swap3A_50 = vector.shape_cast %broadcast_in_dim3A_44 : vector<16xf32> to vector<1x16xf32>
      tpu.vector_store %arg5[%swap3A_46, %swap3A_47], %swap3A_50 {strides = array<i32>} : memref<4x16xf32, #tpu.memory_space<vmem>>, vector<1x16xf32>,
      %broadcast_in_dim3A_51 = arith.constant 0.000000e+00 : f32
      %broadcast_in_dim3A_52 = vector.broadcast %broadcast_in_dim3A_51 : f32 to vector<16xf32>
      %swap3A_53 = arith.constant 2 : i32
      %swap3A_54 = arith.index_cast %swap3A_53 : i32 to index
      %swap3A_55 = arith.constant 0 : index
      %swap3A_56 = tpu.vector_load %arg5[%swap3A_54, %swap3A_55] {strides = array<i32>} : memref<4x16xf32, #tpu.memory_space<vmem>>, vector<1x16xf32>,
      %swap3A_57 = vector.shape_cast %swap3A_56 : vector<1x16xf32> to vector<16xf32>
      %swap3A_58 = vector.shape_cast %broadcast_in_dim3A_52 : vector<16xf32> to vector<1x16xf32>
      tpu.vector_store %arg5[%swap3A_54, %swap3A_55], %swap3A_58 {strides = array<i32>} : memref<4x16xf32, #tpu.memory_space<vmem>>, vector<1x16xf32>,
      %broadcast_in_dim3A_59 = arith.constant 0.000000e+00 : f32
      %broadcast_in_dim3A_60 = vector.broadcast %broadcast_in_dim3A_59 : f32 to vector<16xf32>
      %swap3A_61 = arith.constant 3 : i32
      %swap3A_62 = arith.index_cast %swap3A_61 : i32 to index
      %swap3A_63 = arith.constant 0 : index
      %swap3A_64 = tpu.vector_load %arg5[%swap3A_62, %swap3A_63] {strides = array<i32>} : memref<4x16xf32, #tpu.memory_space<vmem>>, vector<1x16xf32>,
      %swap3A_65 = vector.shape_cast %swap3A_64 : vector<1x16xf32> to vector<16xf32>
      %swap3A_66 = vector.shape_cast %broadcast_in_dim3A_60 : vector<16xf32> to vector<1x16xf32>
      tpu.vector_store %arg5[%swap3A_62, %swap3A_63], %swap3A_66 {strides = array<i32>} : memref<4x16xf32, #tpu.memory_space<vmem>>, vector<1x16xf32>,
      %dma_start3A = arith.constant 0 : i32
      %dma_start3A_67 = arith.constant 0 : i32
      %dma_start3A_68 = arith.constant 0 : i32
      %dma_start3A_69 = tpu.memref_slice %arg4[%dma_start3A, %dma_start3A_68] : memref<2x6272xf32, #tpu.memory_space<vmem>> -> memref<1x6272xf32, #tpu.memory_space<vmem>>
      %dma_start3A_70 = tpu.memref_squeeze %dma_start3A_69 : memref<1x6272xf32, #tpu.memory_space<vmem>> -> memref<6272xf32, #tpu.memory_space<vmem>>
      %dma_start3A_71 = arith.constant 0 : i32
      %dma_start3A_72 = tpu.memref_slice %arg2[%add3A_36, %dma_start3A_71] : memref<384x50176xf32, #tpu.memory_space<hbm>> -> memref<1x6272xf32, #tpu.memory_space<hbm>>
      %dma_start3A_73 = tpu.memref_squeeze %dma_start3A_72 : memref<1x6272xf32, #tpu.memory_space<hbm>> -> memref<6272xf32, #tpu.memory_space<hbm>>
      %dma_start3A_74 = tpu.memref_slice %arg6[%dma_start3A_67] : memref<2x!tpu.dma_semaphore, #tpu.memory_space<semaphore_mem>> -> memref<1x!tpu.dma_semaphore, #tpu.memory_space<semaphore_mem>>
      %dma_start3A_75 = tpu.memref_squeeze %dma_start3A_74 : memref<1x!tpu.dma_semaphore, #tpu.memory_space<semaphore_mem>> -> memref<!tpu.dma_semaphore, #tpu.memory_space<semaphore_mem>>
      %dma_start3A_76 = arith.constant 0 : i32
      %dma_start3A_77 = tpu.memref_slice %arg4[%dma_start3A, %dma_start3A_76] : memref<2x6272xf32, #tpu.memory_space<vmem>> -> memref<1x6272xf32, #tpu.memory_space<vmem>>
      %dma_start3A_78 = tpu.memref_squeeze %dma_start3A_77 : memref<1x6272xf32, #tpu.memory_space<vmem>> -> memref<6272xf32, #tpu.memory_space<vmem>>
      %dma_start3A_79 = arith.constant 0 : i32
      %dma_start3A_80 = tpu.memref_slice %arg2[%add3A_36, %dma_start3A_79] : memref<384x50176xf32, #tpu.memory_space<hbm>> -> memref<1x6272xf32, #tpu.memory_space<hbm>>
      %dma_start3A_81 = tpu.memref_squeeze %dma_start3A_80 : memref<1x6272xf32, #tpu.memory_space<hbm>> -> memref<6272xf32, #tpu.memory_space<hbm>>
      tpu.enqueue_dma source(%dma_start3A_81 : memref<6272xf32, #tpu.memory_space<hbm>>) target(%dma_start3A_78 : memref<6272xf32, #tpu.memory_space<vmem>>) target_semaphore(%dma_start3A_75 : memref<!tpu.dma_semaphore, #tpu.memory_space<semaphore_mem>>)
      %scan3A_82 = arith.constant 0 : i32
      %scan3A_83 = arith.constant 4 : i32
      %scan3A_84 = arith.addi %scan3A_82, %scan3A_83 : i32
      %scan3A_85 = arith.constant 1 : i32
      scf.for %scan3A_162 = %scan3A_82 to %scan3A_84 step %scan3A_85  : i32 {
        %mul3A_163 = arith.constant 1 : i32
        %mul3A_164 = arith.muli %scan3A_162, %mul3A_163 : i32
        %add3A_165 = arith.constant 0 : i32
        %add3A_166 = arith.addi %add3A_165, %mul3A_164 : i32
        %mul3A_167 = arith.constant 2 : i32
        %mul3A_168 = arith.muli %mul3A_167, %add3A_166 : i32
        %add3A_169 = arith.constant 1 : i32
        %add3A_170 = arith.addi %mul3A_168, %add3A_169 : i32
        %mul3A_171 = arith.constant 6272 : i32
        %mul3A_172 = arith.muli %add3A_170, %mul3A_171 : i32
        %dma_start3A_173 = arith.constant 1 : i32
        %dma_start3A_174 = arith.constant 1 : i32
        %dma_start3A_175 = arith.constant 0 : i32
        %dma_start3A_176 = tpu.memref_slice %arg4[%dma_start3A_173, %dma_start3A_175] : memref<2x6272xf32, #tpu.memory_space<vmem>> -> memref<1x6272xf32, #tpu.memory_space<vmem>>
        %dma_start3A_177 = tpu.memref_squeeze %dma_start3A_176 : memref<1x6272xf32, #tpu.memory_space<vmem>> -> memref<6272xf32, #tpu.memory_space<vmem>>
        %dma_start3A_178 = tpu.memref_slice %arg2[%add3A_36, %mul3A_172] : memref<384x50176xf32, #tpu.memory_space<hbm>> -> memref<1x6272xf32, #tpu.memory_space<hbm>>
        %dma_start3A_179 = tpu.memref_squeeze %dma_start3A_178 : memref<1x6272xf32, #tpu.memory_space<hbm>> -> memref<6272xf32, #tpu.memory_space<hbm>>
        %dma_start3A_180 = tpu.memref_slice %arg6[%dma_start3A_174] : memref<2x!tpu.dma_semaphore, #tpu.memory_space<semaphore_mem>> -> memref<1x!tpu.dma_semaphore, #tpu.memory_space<semaphore_mem>>
        %dma_start3A_181 = tpu.memref_squeeze %dma_start3A_180 : memref<1x!tpu.dma_semaphore, #tpu.memory_space<semaphore_mem>> -> memref<!tpu.dma_semaphore, #tpu.memory_space<semaphore_mem>>
        %dma_start3A_182 = arith.constant 0 : i32
        %dma_start3A_183 = tpu.memref_slice %arg4[%dma_start3A_173, %dma_start3A_182] : memref<2x6272xf32, #tpu.memory_space<vmem>> -> memref<1x6272xf32, #tpu.memory_space<vmem>>
        %dma_start3A_184 = tpu.memref_squeeze %dma_start3A_183 : memref<1x6272xf32, #tpu.memory_space<vmem>> -> memref<6272xf32, #tpu.memory_space<vmem>>
        %dma_start3A_185 = tpu.memref_slice %arg2[%add3A_36, %mul3A_172] : memref<384x50176xf32, #tpu.memory_space<hbm>> -> memref<1x6272xf32, #tpu.memory_space<hbm>>
        %dma_start3A_186 = tpu.memref_squeeze %dma_start3A_185 : memref<1x6272xf32, #tpu.memory_space<hbm>> -> memref<6272xf32, #tpu.memory_space<hbm>>
        tpu.enqueue_dma source(%dma_start3A_186 : memref<6272xf32, #tpu.memory_space<hbm>>) target(%dma_start3A_184 : memref<6272xf32, #tpu.memory_space<vmem>>) target_semaphore(%dma_start3A_181 : memref<!tpu.dma_semaphore, #tpu.memory_space<semaphore_mem>>)
        %mul3A_187 = arith.constant 2 : i32
        %mul3A_188 = arith.muli %mul3A_187, %add3A_166 : i32
        %mul3A_189 = arith.constant 6272 : i32
        %mul3A_190 = arith.muli %mul3A_188, %mul3A_189 : i32
        %dma_wait3A_191 = arith.constant 0 : i32
        %dma_wait3A_192 = arith.constant 0 : i32
        %dma_wait3A_193 = arith.constant 0 : i32
        %dma_wait3A_194 = tpu.memref_slice %arg4[%dma_wait3A_191, %dma_wait3A_193] : memref<2x6272xf32, #tpu.memory_space<vmem>> -> memref<1x6272xf32, #tpu.memory_space<vmem>>
        %dma_wait3A_195 = tpu.memref_squeeze %dma_wait3A_194 : memref<1x6272xf32, #tpu.memory_space<vmem>> -> memref<6272xf32, #tpu.memory_space<vmem>>
        %dma_wait3A_196 = tpu.memref_slice %arg2[%add3A_36, %mul3A_190] : memref<384x50176xf32, #tpu.memory_space<hbm>> -> memref<1x6272xf32, #tpu.memory_space<hbm>>
        %dma_wait3A_197 = tpu.memref_squeeze %dma_wait3A_196 : memref<1x6272xf32, #tpu.memory_space<hbm>> -> memref<6272xf32, #tpu.memory_space<hbm>>
        %dma_wait3A_198 = tpu.memref_slice %arg6[%dma_wait3A_192] : memref<2x!tpu.dma_semaphore, #tpu.memory_space<semaphore_mem>> -> memref<1x!tpu.dma_semaphore, #tpu.memory_space<semaphore_mem>>
        %dma_wait3A_199 = tpu.memref_squeeze %dma_wait3A_198 : memref<1x!tpu.dma_semaphore, #tpu.memory_space<semaphore_mem>> -> memref<!tpu.dma_semaphore, #tpu.memory_space<semaphore_mem>>
        %dma_wait3A_200 = arith.constant 0 : i32
        %dma_wait3A_201 = tpu.memref_slice %arg4[%dma_wait3A_191, %dma_wait3A_200] : memref<2x6272xf32, #tpu.memory_space<vmem>> -> memref<1x6272xf32, #tpu.memory_space<vmem>>
        %dma_wait3A_202 = tpu.memref_squeeze %dma_wait3A_201 : memref<1x6272xf32, #tpu.memory_space<vmem>> -> memref<6272xf32, #tpu.memory_space<vmem>>
        %dma_wait3A_203 = tpu.memref_slice %arg2[%add3A_36, %mul3A_190] : memref<384x50176xf32, #tpu.memory_space<hbm>> -> memref<1x6272xf32, #tpu.memory_space<hbm>>
        %dma_wait3A_204 = tpu.memref_squeeze %dma_wait3A_203 : memref<1x6272xf32, #tpu.memory_space<hbm>> -> memref<6272xf32, #tpu.memory_space<hbm>>
        tpu.wait_dma2 semaphore(%dma_wait3A_199 : memref<!tpu.dma_semaphore, #tpu.memory_space<semaphore_mem>>) src(%dma_wait3A_204 : memref<6272xf32, #tpu.memory_space<hbm>>) dst(%dma_wait3A_202 : memref<6272xf32, #tpu.memory_space<vmem>>)
        %scan3A_205 = arith.constant 0 : i32
        %scan3A_206 = arith.constant 98 : i32
        %scan3A_207 = arith.addi %scan3A_205, %scan3A_206 : i32
        %scan3A_208 = arith.constant 1 : i32
        scf.for %scan3A_239 = %scan3A_205 to %scan3A_207 step %scan3A_208  : i32 {
          %mul3A_240 = arith.constant 4 : i32
          %mul3A_241 = arith.muli %scan3A_239, %mul3A_240 : i32
          %add3A_242 = arith.constant 0 : i32
          %add3A_243 = arith.addi %add3A_242, %mul3A_241 : i32
          %get3A_244 = arith.constant 0 : i32
          %get3A_245 = arith.index_cast %get3A_244 : i32 to index
          %get3A_246 = arith.constant 0 : index
          %get3A_247 = tpu.vector_load %arg5[%get3A_245, %get3A_246] {strides = array<i32>} : memref<4x16xf32, #tpu.memory_space<vmem>>, vector<1x16xf32>,
          %get3A_248 = vector.shape_cast %get3A_247 : vector<1x16xf32> to vector<16xf32>
          %add3A_249 = arith.constant 0 : i32
          %add3A_250 = arith.addi %add3A_243, %add3A_249 : i32
          %mul3A_251 = arith.constant 16 : i32
          %mul3A_252 = arith.muli %add3A_250, %mul3A_251 : i32
          %get3A_253 = arith.constant 0 : i32
          %get3A_254 = arith.constant 0 : i32
          %get3A_255 = tpu.memref_slice %arg4[%get3A_253, %get3A_254] : memref<2x6272xf32, #tpu.memory_space<vmem>> -> memref<1x6272xf32, #tpu.memory_space<vmem>>
          %get3A_256 = tpu.memref_squeeze %get3A_255 : memref<1x6272xf32, #tpu.memory_space<vmem>> -> memref<6272xf32, #tpu.memory_space<vmem>>
          %get3A_257 = arith.index_cast %mul3A_252 : i32 to index
          %get3A_258 = tpu.vector_load %get3A_256[%get3A_257] {strides = array<i32>} : memref<6272xf32, #tpu.memory_space<vmem>>, vector<16xf32>,
          %get3A_259 = vector.shape_cast %get3A_258 : vector<16xf32> to vector<16xf32>
          %add3A_260 = arith.addf %get3A_248, %get3A_259 : vector<16xf32>
          %swap3A_261 = arith.constant 0 : i32
          %swap3A_262 = arith.index_cast %swap3A_261 : i32 to index
          %swap3A_263 = arith.constant 0 : index
          %swap3A_264 = tpu.vector_load %arg5[%swap3A_262, %swap3A_263] {strides = array<i32>} : memref<4x16xf32, #tpu.memory_space<vmem>>, vector<1x16xf32>,
          %swap3A_265 = vector.shape_cast %swap3A_264 : vector<1x16xf32> to vector<16xf32>
          %swap3A_266 = vector.shape_cast %add3A_260 : vector<16xf32> to vector<1x16xf32>
          tpu.vector_store %arg5[%swap3A_262, %swap3A_263], %swap3A_266 {strides = array<i32>} : memref<4x16xf32, #tpu.memory_space<vmem>>, vector<1x16xf32>,
          %get3A_267 = arith.constant 1 : i32
          %get3A_268 = arith.index_cast %get3A_267 : i32 to index
          %get3A_269 = arith.constant 0 : index
          %get3A_270 = tpu.vector_load %arg5[%get3A_268, %get3A_269] {strides = array<i32>} : memref<4x16xf32, #tpu.memory_space<vmem>>, vector<1x16xf32>,
          %get3A_271 = vector.shape_cast %get3A_270 : vector<1x16xf32> to vector<16xf32>
          %add3A_272 = arith.constant 1 : i32
          %add3A_273 = arith.addi %add3A_243, %add3A_272 : i32
          %mul3A_274 = arith.constant 16 : i32
          %mul3A_275 = arith.muli %add3A_273, %mul3A_274 : i32
          %get3A_276 = arith.constant 0 : i32
          %get3A_277 = arith.constant 0 : i32
          %get3A_278 = tpu.memref_slice %arg4[%get3A_276, %get3A_277] : memref<2x6272xf32, #tpu.memory_space<vmem>> -> memref<1x6272xf32, #tpu.memory_space<vmem>>
          %get3A_279 = tpu.memref_squeeze %get3A_278 : memref<1x6272xf32, #tpu.memory_space<vmem>> -> memref<6272xf32, #tpu.memory_space<vmem>>
          %get3A_280 = arith.index_cast %mul3A_275 : i32 to index
          %get3A_281 = tpu.vector_load %get3A_279[%get3A_280] {strides = array<i32>} : memref<6272xf32, #tpu.memory_space<vmem>>, vector<16xf32>,
          %get3A_282 = vector.shape_cast %get3A_281 : vector<16xf32> to vector<16xf32>
          %add3A_283 = arith.addf %get3A_271, %get3A_282 : vector<16xf32>
          %swap3A_284 = arith.constant 1 : i32
          %swap3A_285 = arith.index_cast %swap3A_284 : i32 to index
          %swap3A_286 = arith.constant 0 : index
          %swap3A_287 = tpu.vector_load %arg5[%swap3A_285, %swap3A_286] {strides = array<i32>} : memref<4x16xf32, #tpu.memory_space<vmem>>, vector<1x16xf32>,
          %swap3A_288 = vector.shape_cast %swap3A_287 : vector<1x16xf32> to vector<16xf32>
          %swap3A_289 = vector.shape_cast %add3A_283 : vector<16xf32> to vector<1x16xf32>
          tpu.vector_store %arg5[%swap3A_285, %swap3A_286], %swap3A_289 {strides = array<i32>} : memref<4x16xf32, #tpu.memory_space<vmem>>, vector<1x16xf32>,
          %get3A_290 = arith.constant 2 : i32
          %get3A_291 = arith.index_cast %get3A_290 : i32 to index
          %get3A_292 = arith.constant 0 : index
          %get3A_293 = tpu.vector_load %arg5[%get3A_291, %get3A_292] {strides = array<i32>} : memref<4x16xf32, #tpu.memory_space<vmem>>, vector<1x16xf32>,
          %get3A_294 = vector.shape_cast %get3A_293 : vector<1x16xf32> to vector<16xf32>
          %add3A_295 = arith.constant 2 : i32
          %add3A_296 = arith.addi %add3A_243, %add3A_295 : i32
          %mul3A_297 = arith.constant 16 : i32
          %mul3A_298 = arith.muli %add3A_296, %mul3A_297 : i32
          %get3A_299 = arith.constant 0 : i32
          %get3A_300 = arith.constant 0 : i32
          %get3A_301 = tpu.memref_slice %arg4[%get3A_299, %get3A_300] : memref<2x6272xf32, #tpu.memory_space<vmem>> -> memref<1x6272xf32, #tpu.memory_space<vmem>>
          %get3A_302 = tpu.memref_squeeze %get3A_301 : memref<1x6272xf32, #tpu.memory_space<vmem>> -> memref<6272xf32, #tpu.memory_space<vmem>>
          %get3A_303 = arith.index_cast %mul3A_298 : i32 to index
          %get3A_304 = tpu.vector_load %get3A_302[%get3A_303] {strides = array<i32>} : memref<6272xf32, #tpu.memory_space<vmem>>, vector<16xf32>,
          %get3A_305 = vector.shape_cast %get3A_304 : vector<16xf32> to vector<16xf32>
          %add3A_306 = arith.addf %get3A_294, %get3A_305 : vector<16xf32>
          %swap3A_307 = arith.constant 2 : i32
          %swap3A_308 = arith.index_cast %swap3A_307 : i32 to index
          %swap3A_309 = arith.constant 0 : index
          %swap3A_310 = tpu.vector_load %arg5[%swap3A_308, %swap3A_309] {strides = array<i32>} : memref<4x16xf32, #tpu.memory_space<vmem>>, vector<1x16xf32>,
          %swap3A_311 = vector.shape_cast %swap3A_310 : vector<1x16xf32> to vector<16xf32>
          %swap3A_312 = vector.shape_cast %add3A_306 : vector<16xf32> to vector<1x16xf32>
          tpu.vector_store %arg5[%swap3A_308, %swap3A_309], %swap3A_312 {strides = array<i32>} : memref<4x16xf32, #tpu.memory_space<vmem>>, vector<1x16xf32>,
          %get3A_313 = arith.constant 3 : i32
          %get3A_314 = arith.index_cast %get3A_313 : i32 to index
          %get3A_315 = arith.constant 0 : index
          %get3A_316 = tpu.vector_load %arg5[%get3A_314, %get3A_315] {strides = array<i32>} : memref<4x16xf32, #tpu.memory_space<vmem>>, vector<1x16xf32>,
          %get3A_317 = vector.shape_cast %get3A_316 : vector<1x16xf32> to vector<16xf32>
          %add3A_318 = arith.constant 3 : i32
          %add3A_319 = arith.addi %add3A_243, %add3A_318 : i32
          %mul3A_320 = arith.constant 16 : i32
          %mul3A_321 = arith.muli %add3A_319, %mul3A_320 : i32
          %get3A_322 = arith.constant 0 : i32
          %get3A_323 = arith.constant 0 : i32
          %get3A_324 = tpu.memref_slice %arg4[%get3A_322, %get3A_323] : memref<2x6272xf32, #tpu.memory_space<vmem>> -> memref<1x6272xf32, #tpu.memory_space<vmem>>
          %get3A_325 = tpu.memref_squeeze %get3A_324 : memref<1x6272xf32, #tpu.memory_space<vmem>> -> memref<6272xf32, #tpu.memory_space<vmem>>
          %get3A_326 = arith.index_cast %mul3A_321 : i32 to index
          %get3A_327 = tpu.vector_load %get3A_325[%get3A_326] {strides = array<i32>} : memref<6272xf32, #tpu.memory_space<vmem>>, vector<16xf32>,
          %get3A_328 = vector.shape_cast %get3A_327 : vector<16xf32> to vector<16xf32>
          %add3A_329 = arith.addf %get3A_317, %get3A_328 : vector<16xf32>
          %swap3A_330 = arith.constant 3 : i32
          %swap3A_331 = arith.index_cast %swap3A_330 : i32 to index
          %swap3A_332 = arith.constant 0 : index
          %swap3A_333 = tpu.vector_load %arg5[%swap3A_331, %swap3A_332] {strides = array<i32>} : memref<4x16xf32, #tpu.memory_space<vmem>>, vector<1x16xf32>,
          %swap3A_334 = vector.shape_cast %swap3A_333 : vector<1x16xf32> to vector<16xf32>
          %swap3A_335 = vector.shape_cast %add3A_329 : vector<16xf32> to vector<1x16xf32>
          tpu.vector_store %arg5[%swap3A_331, %swap3A_332], %swap3A_335 {strides = array<i32>} : memref<4x16xf32, #tpu.memory_space<vmem>>, vector<1x16xf32>,
        }
        %scan3A_209 = arith.constant 98 : i32
        %add3A_210 = arith.constant 1 : i32
        %add3A_211 = arith.addi %add3A_166, %add3A_210 : i32
        %lt3A = arith.constant 4 : i32
        %lt3A_212 = arith.cmpi slt, %add3A_211, %lt3A : i32
        %convert_element_type3A = arith.extui %lt3A_212 : i1 to i32
        %cond3A = arith.constant 0 : i32
        %cond3A_213 = arith.cmpi ne, %convert_element_type3A, %cond3A : i32
        scf.if %cond3A_213 {
          %mul3A_239 = arith.constant 2 : i32
          %mul3A_240 = arith.muli %mul3A_239, %add3A_166 : i32
          %add3A_241 = arith.constant 2 : i32
          %add3A_242 = arith.addi %mul3A_240, %add3A_241 : i32
          %mul3A_243 = arith.constant 6272 : i32
          %mul3A_244 = arith.muli %add3A_242, %mul3A_243 : i32
          %dma_start3A_245 = arith.constant 0 : i32
          %dma_start3A_246 = arith.constant 0 : i32
          %dma_start3A_247 = arith.constant 0 : i32
          %dma_start3A_248 = tpu.memref_slice %arg4[%dma_start3A_245, %dma_start3A_247] : memref<2x6272xf32, #tpu.memory_space<vmem>> -> memref<1x6272xf32, #tpu.memory_space<vmem>>
          %dma_start3A_249 = tpu.memref_squeeze %dma_start3A_248 : memref<1x6272xf32, #tpu.memory_space<vmem>> -> memref<6272xf32, #tpu.memory_space<vmem>>
          %dma_start3A_250 = tpu.memref_slice %arg2[%add3A_36, %mul3A_244] : memref<384x50176xf32, #tpu.memory_space<hbm>> -> memref<1x6272xf32, #tpu.memory_space<hbm>>
          %dma_start3A_251 = tpu.memref_squeeze %dma_start3A_250 : memref<1x6272xf32, #tpu.memory_space<hbm>> -> memref<6272xf32, #tpu.memory_space<hbm>>
          %dma_start3A_252 = tpu.memref_slice %arg6[%dma_start3A_246] : memref<2x!tpu.dma_semaphore, #tpu.memory_space<semaphore_mem>> -> memref<1x!tpu.dma_semaphore, #tpu.memory_space<semaphore_mem>>
          %dma_start3A_253 = tpu.memref_squeeze %dma_start3A_252 : memref<1x!tpu.dma_semaphore, #tpu.memory_space<semaphore_mem>> -> memref<!tpu.dma_semaphore, #tpu.memory_space<semaphore_mem>>
          %dma_start3A_254 = arith.constant 0 : i32
          %dma_start3A_255 = tpu.memref_slice %arg4[%dma_start3A_245, %dma_start3A_254] : memref<2x6272xf32, #tpu.memory_space<vmem>> -> memref<1x6272xf32, #tpu.memory_space<vmem>>
          %dma_start3A_256 = tpu.memref_squeeze %dma_start3A_255 : memref<1x6272xf32, #tpu.memory_space<vmem>> -> memref<6272xf32, #tpu.memory_space<vmem>>
          %dma_start3A_257 = tpu.memref_slice %arg2[%add3A_36, %mul3A_244] : memref<384x50176xf32, #tpu.memory_space<hbm>> -> memref<1x6272xf32, #tpu.memory_space<hbm>>
          %dma_start3A_258 = tpu.memref_squeeze %dma_start3A_257 : memref<1x6272xf32, #tpu.memory_space<hbm>> -> memref<6272xf32, #tpu.memory_space<hbm>>
          tpu.enqueue_dma source(%dma_start3A_258 : memref<6272xf32, #tpu.memory_space<hbm>>) target(%dma_start3A_256 : memref<6272xf32, #tpu.memory_space<vmem>>) target_semaphore(%dma_start3A_253 : memref<!tpu.dma_semaphore, #tpu.memory_space<semaphore_mem>>)
        } else {
        }
        %mul3A_214 = arith.constant 2 : i32
        %mul3A_215 = arith.muli %mul3A_214, %add3A_166 : i32
        %add3A_216 = arith.constant 1 : i32
        %add3A_217 = arith.addi %mul3A_215, %add3A_216 : i32
        %mul3A_218 = arith.constant 6272 : i32
        %mul3A_219 = arith.muli %add3A_217, %mul3A_218 : i32
        %dma_wait3A_220 = arith.constant 1 : i32
        %dma_wait3A_221 = arith.constant 1 : i32
        %dma_wait3A_222 = arith.constant 0 : i32
        %dma_wait3A_223 = tpu.memref_slice %arg4[%dma_wait3A_220, %dma_wait3A_222] : memref<2x6272xf32, #tpu.memory_space<vmem>> -> memref<1x6272xf32, #tpu.memory_space<vmem>>
        %dma_wait3A_224 = tpu.memref_squeeze %dma_wait3A_223 : memref<1x6272xf32, #tpu.memory_space<vmem>> -> memref<6272xf32, #tpu.memory_space<vmem>>
        %dma_wait3A_225 = tpu.memref_slice %arg2[%add3A_36, %mul3A_219] : memref<384x50176xf32, #tpu.memory_space<hbm>> -> memref<1x6272xf32, #tpu.memory_space<hbm>>
        %dma_wait3A_226 = tpu.memref_squeeze %dma_wait3A_225 : memref<1x6272xf32, #tpu.memory_space<hbm>> -> memref<6272xf32, #tpu.memory_space<hbm>>
        %dma_wait3A_227 = tpu.memref_slice %arg6[%dma_wait3A_221] : memref<2x!tpu.dma_semaphore, #tpu.memory_space<semaphore_mem>> -> memref<1x!tpu.dma_semaphore, #tpu.memory_space<semaphore_mem>>
        %dma_wait3A_228 = tpu.memref_squeeze %dma_wait3A_227 : memref<1x!tpu.dma_semaphore, #tpu.memory_space<semaphore_mem>> -> memref<!tpu.dma_semaphore, #tpu.memory_space<semaphore_mem>>
        %dma_wait3A_229 = arith.constant 0 : i32
        %dma_wait3A_230 = tpu.memref_slice %arg4[%dma_wait3A_220, %dma_wait3A_229] : memref<2x6272xf32, #tpu.memory_space<vmem>> -> memref<1x6272xf32, #tpu.memory_space<vmem>>
        %dma_wait3A_231 = tpu.memref_squeeze %dma_wait3A_230 : memref<1x6272xf32, #tpu.memory_space<vmem>> -> memref<6272xf32, #tpu.memory_space<vmem>>
        %dma_wait3A_232 = tpu.memref_slice %arg2[%add3A_36, %mul3A_219] : memref<384x50176xf32, #tpu.memory_space<hbm>> -> memref<1x6272xf32, #tpu.memory_space<hbm>>
        %dma_wait3A_233 = tpu.memref_squeeze %dma_wait3A_232 : memref<1x6272xf32, #tpu.memory_space<hbm>> -> memref<6272xf32, #tpu.memory_space<hbm>>
        tpu.wait_dma2 semaphore(%dma_wait3A_228 : memref<!tpu.dma_semaphore, #tpu.memory_space<semaphore_mem>>) src(%dma_wait3A_233 : memref<6272xf32, #tpu.memory_space<hbm>>) dst(%dma_wait3A_231 : memref<6272xf32, #tpu.memory_space<vmem>>)
        %scan3A_234 = arith.constant 0 : i32
        %scan3A_235 = arith.constant 98 : i32
        %scan3A_236 = arith.addi %scan3A_234, %scan3A_235 : i32
        %scan3A_237 = arith.constant 1 : i32
        scf.for %scan3A_239 = %scan3A_234 to %scan3A_236 step %scan3A_237  : i32 {
          %mul3A_240 = arith.constant 4 : i32
          %mul3A_241 = arith.muli %scan3A_239, %mul3A_240 : i32
          %add3A_242 = arith.constant 0 : i32
          %add3A_243 = arith.addi %add3A_242, %mul3A_241 : i32
          %get3A_244 = arith.constant 0 : i32
          %get3A_245 = arith.index_cast %get3A_244 : i32 to index
          %get3A_246 = arith.constant 0 : index
          %get3A_247 = tpu.vector_load %arg5[%get3A_245, %get3A_246] {strides = array<i32>} : memref<4x16xf32, #tpu.memory_space<vmem>>, vector<1x16xf32>,
          %get3A_248 = vector.shape_cast %get3A_247 : vector<1x16xf32> to vector<16xf32>
          %add3A_249 = arith.constant 0 : i32
          %add3A_250 = arith.addi %add3A_243, %add3A_249 : i32
          %mul3A_251 = arith.constant 16 : i32
          %mul3A_252 = arith.muli %add3A_250, %mul3A_251 : i32
          %get3A_253 = arith.constant 1 : i32
          %get3A_254 = arith.constant 0 : i32
          %get3A_255 = tpu.memref_slice %arg4[%get3A_253, %get3A_254] : memref<2x6272xf32, #tpu.memory_space<vmem>> -> memref<1x6272xf32, #tpu.memory_space<vmem>>
          %get3A_256 = tpu.memref_squeeze %get3A_255 : memref<1x6272xf32, #tpu.memory_space<vmem>> -> memref<6272xf32, #tpu.memory_space<vmem>>
          %get3A_257 = arith.index_cast %mul3A_252 : i32 to index
          %get3A_258 = tpu.vector_load %get3A_256[%get3A_257] {strides = array<i32>} : memref<6272xf32, #tpu.memory_space<vmem>>, vector<16xf32>,
          %get3A_259 = vector.shape_cast %get3A_258 : vector<16xf32> to vector<16xf32>
          %add3A_260 = arith.addf %get3A_248, %get3A_259 : vector<16xf32>
          %swap3A_261 = arith.constant 0 : i32
          %swap3A_262 = arith.index_cast %swap3A_261 : i32 to index
          %swap3A_263 = arith.constant 0 : index
          %swap3A_264 = tpu.vector_load %arg5[%swap3A_262, %swap3A_263] {strides = array<i32>} : memref<4x16xf32, #tpu.memory_space<vmem>>, vector<1x16xf32>,
          %swap3A_265 = vector.shape_cast %swap3A_264 : vector<1x16xf32> to vector<16xf32>
          %swap3A_266 = vector.shape_cast %add3A_260 : vector<16xf32> to vector<1x16xf32>
          tpu.vector_store %arg5[%swap3A_262, %swap3A_263], %swap3A_266 {strides = array<i32>} : memref<4x16xf32, #tpu.memory_space<vmem>>, vector<1x16xf32>,
          %get3A_267 = arith.constant 1 : i32
          %get3A_268 = arith.index_cast %get3A_267 : i32 to index
          %get3A_269 = arith.constant 0 : index
          %get3A_270 = tpu.vector_load %arg5[%get3A_268, %get3A_269] {strides = array<i32>} : memref<4x16xf32, #tpu.memory_space<vmem>>, vector<1x16xf32>,
          %get3A_271 = vector.shape_cast %get3A_270 : vector<1x16xf32> to vector<16xf32>
          %add3A_272 = arith.constant 1 : i32
          %add3A_273 = arith.addi %add3A_243, %add3A_272 : i32
          %mul3A_274 = arith.constant 16 : i32
          %mul3A_275 = arith.muli %add3A_273, %mul3A_274 : i32
          %get3A_276 = arith.constant 1 : i32
          %get3A_277 = arith.constant 0 : i32
          %get3A_278 = tpu.memref_slice %arg4[%get3A_276, %get3A_277] : memref<2x6272xf32, #tpu.memory_space<vmem>> -> memref<1x6272xf32, #tpu.memory_space<vmem>>
          %get3A_279 = tpu.memref_squeeze %get3A_278 : memref<1x6272xf32, #tpu.memory_space<vmem>> -> memref<6272xf32, #tpu.memory_space<vmem>>
          %get3A_280 = arith.index_cast %mul3A_275 : i32 to index
          %get3A_281 = tpu.vector_load %get3A_279[%get3A_280] {strides = array<i32>} : memref<6272xf32, #tpu.memory_space<vmem>>, vector<16xf32>,
          %get3A_282 = vector.shape_cast %get3A_281 : vector<16xf32> to vector<16xf32>
          %add3A_283 = arith.addf %get3A_271, %get3A_282 : vector<16xf32>
          %swap3A_284 = arith.constant 1 : i32
          %swap3A_285 = arith.index_cast %swap3A_284 : i32 to index
          %swap3A_286 = arith.constant 0 : index
          %swap3A_287 = tpu.vector_load %arg5[%swap3A_285, %swap3A_286] {strides = array<i32>} : memref<4x16xf32, #tpu.memory_space<vmem>>, vector<1x16xf32>,
          %swap3A_288 = vector.shape_cast %swap3A_287 : vector<1x16xf32> to vector<16xf32>
          %swap3A_289 = vector.shape_cast %add3A_283 : vector<16xf32> to vector<1x16xf32>
          tpu.vector_store %arg5[%swap3A_285, %swap3A_286], %swap3A_289 {strides = array<i32>} : memref<4x16xf32, #tpu.memory_space<vmem>>, vector<1x16xf32>,
          %get3A_290 = arith.constant 2 : i32
          %get3A_291 = arith.index_cast %get3A_290 : i32 to index
          %get3A_292 = arith.constant 0 : index
          %get3A_293 = tpu.vector_load %arg5[%get3A_291, %get3A_292] {strides = array<i32>} : memref<4x16xf32, #tpu.memory_space<vmem>>, vector<1x16xf32>,
          %get3A_294 = vector.shape_cast %get3A_293 : vector<1x16xf32> to vector<16xf32>
          %add3A_295 = arith.constant 2 : i32
          %add3A_296 = arith.addi %add3A_243, %add3A_295 : i32
          %mul3A_297 = arith.constant 16 : i32
          %mul3A_298 = arith.muli %add3A_296, %mul3A_297 : i32
          %get3A_299 = arith.constant 1 : i32
          %get3A_300 = arith.constant 0 : i32
          %get3A_301 = tpu.memref_slice %arg4[%get3A_299, %get3A_300] : memref<2x6272xf32, #tpu.memory_space<vmem>> -> memref<1x6272xf32, #tpu.memory_space<vmem>>
          %get3A_302 = tpu.memref_squeeze %get3A_301 : memref<1x6272xf32, #tpu.memory_space<vmem>> -> memref<6272xf32, #tpu.memory_space<vmem>>
          %get3A_303 = arith.index_cast %mul3A_298 : i32 to index
          %get3A_304 = tpu.vector_load %get3A_302[%get3A_303] {strides = array<i32>} : memref<6272xf32, #tpu.memory_space<vmem>>, vector<16xf32>,
          %get3A_305 = vector.shape_cast %get3A_304 : vector<16xf32> to vector<16xf32>
          %add3A_306 = arith.addf %get3A_294, %get3A_305 : vector<16xf32>
          %swap3A_307 = arith.constant 2 : i32
          %swap3A_308 = arith.index_cast %swap3A_307 : i32 to index
          %swap3A_309 = arith.constant 0 : index
          %swap3A_310 = tpu.vector_load %arg5[%swap3A_308, %swap3A_309] {strides = array<i32>} : memref<4x16xf32, #tpu.memory_space<vmem>>, vector<1x16xf32>,
          %swap3A_311 = vector.shape_cast %swap3A_310 : vector<1x16xf32> to vector<16xf32>
          %swap3A_312 = vector.shape_cast %add3A_306 : vector<16xf32> to vector<1x16xf32>
          tpu.vector_store %arg5[%swap3A_308, %swap3A_309], %swap3A_312 {strides = array<i32>} : memref<4x16xf32, #tpu.memory_space<vmem>>, vector<1x16xf32>,
          %get3A_313 = arith.constant 3 : i32
          %get3A_314 = arith.index_cast %get3A_313 : i32 to index
          %get3A_315 = arith.constant 0 : index
          %get3A_316 = tpu.vector_load %arg5[%get3A_314, %get3A_315] {strides = array<i32>} : memref<4x16xf32, #tpu.memory_space<vmem>>, vector<1x16xf32>,
          %get3A_317 = vector.shape_cast %get3A_316 : vector<1x16xf32> to vector<16xf32>
          %add3A_318 = arith.constant 3 : i32
          %add3A_319 = arith.addi %add3A_243, %add3A_318 : i32
          %mul3A_320 = arith.constant 16 : i32
          %mul3A_321 = arith.muli %add3A_319, %mul3A_320 : i32
          %get3A_322 = arith.constant 1 : i32
          %get3A_323 = arith.constant 0 : i32
          %get3A_324 = tpu.memref_slice %arg4[%get3A_322, %get3A_323] : memref<2x6272xf32, #tpu.memory_space<vmem>> -> memref<1x6272xf32, #tpu.memory_space<vmem>>
          %get3A_325 = tpu.memref_squeeze %get3A_324 : memref<1x6272xf32, #tpu.memory_space<vmem>> -> memref<6272xf32, #tpu.memory_space<vmem>>
          %get3A_326 = arith.index_cast %mul3A_321 : i32 to index
          %get3A_327 = tpu.vector_load %get3A_325[%get3A_326] {strides = array<i32>} : memref<6272xf32, #tpu.memory_space<vmem>>, vector<16xf32>,
          %get3A_328 = vector.shape_cast %get3A_327 : vector<16xf32> to vector<16xf32>
          %add3A_329 = arith.addf %get3A_317, %get3A_328 : vector<16xf32>
          %swap3A_330 = arith.constant 3 : i32
          %swap3A_331 = arith.index_cast %swap3A_330 : i32 to index
          %swap3A_332 = arith.constant 0 : index
          %swap3A_333 = tpu.vector_load %arg5[%swap3A_331, %swap3A_332] {strides = array<i32>} : memref<4x16xf32, #tpu.memory_space<vmem>>, vector<1x16xf32>,
          %swap3A_334 = vector.shape_cast %swap3A_333 : vector<1x16xf32> to vector<16xf32>
          %swap3A_335 = vector.shape_cast %add3A_329 : vector<16xf32> to vector<1x16xf32>
          tpu.vector_store %arg5[%swap3A_331, %swap3A_332], %swap3A_335 {strides = array<i32>} : memref<4x16xf32, #tpu.memory_space<vmem>>, vector<1x16xf32>,
        }
        %scan3A_238 = arith.constant 98 : i32
      }
      %scan3A_86 = arith.constant 4 : i32
      %get3A = arith.constant 0 : i32
      %get3A_87 = arith.index_cast %get3A : i32 to index
      %get3A_88 = arith.constant 0 : index
      %get3A_89 = tpu.vector_load %arg5[%get3A_87, %get3A_88] {strides = array<i32>} : memref<4x16xf32, #tpu.memory_space<vmem>>, vector<1x16xf32>,
      %get3A_90 = vector.shape_cast %get3A_89 : vector<1x16xf32> to vector<16xf32>
      %get3A_91 = arith.constant 1 : i32
      %get3A_92 = arith.index_cast %get3A_91 : i32 to index
      %get3A_93 = arith.constant 0 : index
      %get3A_94 = tpu.vector_load %arg5[%get3A_92, %get3A_93] {strides = array<i32>} : memref<4x16xf32, #tpu.memory_space<vmem>>, vector<1x16xf32>,
      %get3A_95 = vector.shape_cast %get3A_94 : vector<1x16xf32> to vector<16xf32>
      %add3A_96 = arith.addf %get3A_90, %get3A_95 : vector<16xf32>
      %swap3A_97 = arith.constant 0 : i32
      %swap3A_98 = arith.index_cast %swap3A_97 : i32 to index
      %swap3A_99 = arith.constant 0 : index
      %swap3A_100 = tpu.vector_load %arg5[%swap3A_98, %swap3A_99] {strides = array<i32>} : memref<4x16xf32, #tpu.memory_space<vmem>>, vector<1x16xf32>,
      %swap3A_101 = vector.shape_cast %swap3A_100 : vector<1x16xf32> to vector<16xf32>
      %swap3A_102 = vector.shape_cast %add3A_96 : vector<16xf32> to vector<1x16xf32>
      tpu.vector_store %arg5[%swap3A_98, %swap3A_99], %swap3A_102 {strides = array<i32>} : memref<4x16xf32, #tpu.memory_space<vmem>>, vector<1x16xf32>,
      %get3A_103 = arith.constant 2 : i32
      %get3A_104 = arith.index_cast %get3A_103 : i32 to index
      %get3A_105 = arith.constant 0 : index
      %get3A_106 = tpu.vector_load %arg5[%get3A_104, %get3A_105] {strides = array<i32>} : memref<4x16xf32, #tpu.memory_space<vmem>>, vector<1x16xf32>,
      %get3A_107 = vector.shape_cast %get3A_106 : vector<1x16xf32> to vector<16xf32>
      %get3A_108 = arith.constant 3 : i32
      %get3A_109 = arith.index_cast %get3A_108 : i32 to index
      %get3A_110 = arith.constant 0 : index
      %get3A_111 = tpu.vector_load %arg5[%get3A_109, %get3A_110] {strides = array<i32>} : memref<4x16xf32, #tpu.memory_space<vmem>>, vector<1x16xf32>,
      %get3A_112 = vector.shape_cast %get3A_111 : vector<1x16xf32> to vector<16xf32>
      %add3A_113 = arith.addf %get3A_107, %get3A_112 : vector<16xf32>
      %swap3A_114 = arith.constant 2 : i32
      %swap3A_115 = arith.index_cast %swap3A_114 : i32 to index
      %swap3A_116 = arith.constant 0 : index
      %swap3A_117 = tpu.vector_load %arg5[%swap3A_115, %swap3A_116] {strides = array<i32>} : memref<4x16xf32, #tpu.memory_space<vmem>>, vector<1x16xf32>,
      %swap3A_118 = vector.shape_cast %swap3A_117 : vector<1x16xf32> to vector<16xf32>
      %swap3A_119 = vector.shape_cast %add3A_113 : vector<16xf32> to vector<1x16xf32>
      tpu.vector_store %arg5[%swap3A_115, %swap3A_116], %swap3A_119 {strides = array<i32>} : memref<4x16xf32, #tpu.memory_space<vmem>>, vector<1x16xf32>,
      %get3A_120 = arith.constant 0 : i32
      %get3A_121 = arith.index_cast %get3A_120 : i32 to index
      %get3A_122 = arith.constant 0 : index
      %get3A_123 = tpu.vector_load %arg5[%get3A_121, %get3A_122] {strides = array<i32>} : memref<4x16xf32, #tpu.memory_space<vmem>>, vector<1x16xf32>,
      %get3A_124 = vector.shape_cast %get3A_123 : vector<1x16xf32> to vector<16xf32>
      %get3A_125 = arith.constant 2 : i32
      %get3A_126 = arith.index_cast %get3A_125 : i32 to index
      %get3A_127 = arith.constant 0 : index
      %get3A_128 = tpu.vector_load %arg5[%get3A_126, %get3A_127] {strides = array<i32>} : memref<4x16xf32, #tpu.memory_space<vmem>>, vector<1x16xf32>,
      %get3A_129 = vector.shape_cast %get3A_128 : vector<1x16xf32> to vector<16xf32>
      %add3A_130 = arith.addf %get3A_124, %get3A_129 : vector<16xf32>
      %swap3A_131 = arith.constant 0 : i32
      %swap3A_132 = arith.index_cast %swap3A_131 : i32 to index
      %swap3A_133 = arith.constant 0 : index
      %swap3A_134 = tpu.vector_load %arg5[%swap3A_132, %swap3A_133] {strides = array<i32>} : memref<4x16xf32, #tpu.memory_space<vmem>>, vector<1x16xf32>,
      %swap3A_135 = vector.shape_cast %swap3A_134 : vector<1x16xf32> to vector<16xf32>
      %swap3A_136 = vector.shape_cast %add3A_130 : vector<16xf32> to vector<1x16xf32>
      tpu.vector_store %arg5[%swap3A_132, %swap3A_133], %swap3A_136 {strides = array<i32>} : memref<4x16xf32, #tpu.memory_space<vmem>>, vector<1x16xf32>,
      %dma_start3A_137 = arith.constant 0 : i32
      %dma_start3A_138 = arith.constant 0 : i32
      %dma_start3A_139 = tpu.memref_slice %arg5[%dma_start3A_137, %dma_start3A_138] : memref<4x16xf32, #tpu.memory_space<vmem>> -> memref<1x16xf32, #tpu.memory_space<vmem>>
      %dma_start3A_140 = tpu.memref_squeeze %dma_start3A_139 : memref<1x16xf32, #tpu.memory_space<vmem>> -> memref<16xf32, #tpu.memory_space<vmem>>
      %dma_start3A_141 = arith.constant 0 : i32
      %dma_start3A_142 = tpu.memref_slice %arg3[%select_n3A, %sub3A_31, %dma_start3A_141] : memref<2x32x16xf32, #tpu.memory_space<hbm>> -> memref<1x1x16xf32, #tpu.memory_space<hbm>>
      %dma_start3A_143 = tpu.memref_squeeze %dma_start3A_142 : memref<1x1x16xf32, #tpu.memory_space<hbm>> -> memref<16xf32, #tpu.memory_space<hbm>>
      %dma_start3A_144 = arith.constant 0 : i32
      %dma_start3A_145 = tpu.memref_slice %arg3[%select_n3A, %sub3A_31, %dma_start3A_144] : memref<2x32x16xf32, #tpu.memory_space<hbm>> -> memref<1x1x16xf32, #tpu.memory_space<hbm>>
      %dma_start3A_146 = tpu.memref_squeeze %dma_start3A_145 : memref<1x1x16xf32, #tpu.memory_space<hbm>> -> memref<16xf32, #tpu.memory_space<hbm>>
      %dma_start3A_147 = arith.constant 0 : i32
      %dma_start3A_148 = tpu.memref_slice %arg5[%dma_start3A_137, %dma_start3A_147] : memref<4x16xf32, #tpu.memory_space<vmem>> -> memref<1x16xf32, #tpu.memory_space<vmem>>
      %dma_start3A_149 = tpu.memref_squeeze %dma_start3A_148 : memref<1x16xf32, #tpu.memory_space<vmem>> -> memref<16xf32, #tpu.memory_space<vmem>>
      tpu.enqueue_dma source(%dma_start3A_149 : memref<16xf32, #tpu.memory_space<vmem>>) target(%dma_start3A_146 : memref<16xf32, #tpu.memory_space<hbm>>) target_semaphore(%arg7 : memref<!tpu.dma_semaphore, #tpu.memory_space<semaphore_mem>>)
      %dma_wait3A = arith.constant 0 : i32
      %dma_wait3A_150 = arith.constant 0 : i32
      %dma_wait3A_151 = tpu.memref_slice %arg5[%dma_wait3A, %dma_wait3A_150] : memref<4x16xf32, #tpu.memory_space<vmem>> -> memref<1x16xf32, #tpu.memory_space<vmem>>
      %dma_wait3A_152 = tpu.memref_squeeze %dma_wait3A_151 : memref<1x16xf32, #tpu.memory_space<vmem>> -> memref<16xf32, #tpu.memory_space<vmem>>
      %dma_wait3A_153 = arith.constant 0 : i32
      %dma_wait3A_154 = tpu.memref_slice %arg3[%select_n3A, %sub3A_31, %dma_wait3A_153] : memref<2x32x16xf32, #tpu.memory_space<hbm>> -> memref<1x1x16xf32, #tpu.memory_space<hbm>>
      %dma_wait3A_155 = tpu.memref_squeeze %dma_wait3A_154 : memref<1x1x16xf32, #tpu.memory_space<hbm>> -> memref<16xf32, #tpu.memory_space<hbm>>
      %dma_wait3A_156 = arith.constant 0 : i32
      %dma_wait3A_157 = tpu.memref_slice %arg3[%select_n3A, %sub3A_31, %dma_wait3A_156] : memref<2x32x16xf32, #tpu.memory_space<hbm>> -> memref<1x1x16xf32, #tpu.memory_space<hbm>>
      %dma_wait3A_158 = tpu.memref_squeeze %dma_wait3A_157 : memref<1x1x16xf32, #tpu.memory_space<hbm>> -> memref<16xf32, #tpu.memory_space<hbm>>
      %dma_wait3A_159 = arith.constant 0 : i32
      %dma_wait3A_160 = tpu.memref_slice %arg5[%dma_wait3A, %dma_wait3A_159] : memref<4x16xf32, #tpu.memory_space<vmem>> -> memref<1x16xf32, #tpu.memory_space<vmem>>
      %dma_wait3A_161 = tpu.memref_squeeze %dma_wait3A_160 : memref<1x16xf32, #tpu.memory_space<vmem>> -> memref<16xf32, #tpu.memory_space<vmem>>
      tpu.wait_dma2 semaphore(%arg7 : memref<!tpu.dma_semaphore, #tpu.memory_space<semaphore_mem>>) src(%dma_wait3A_161 : memref<16xf32, #tpu.memory_space<vmem>>) dst(%dma_wait3A_158 : memref<16xf32, #tpu.memory_space<hbm>>)
    }
    %scan3A_6 = arith.constant 2 : i32
    return
  }
}

module attributes {stable_mosaic.version = 14 : i64} {
  func.func @_tc_reduce_body(%arg0: i32, %arg1: memref<2x160x3584xf32, #tpu.memory_space<vmem>>, %arg2: memref<2x160xf32, #tpu.memory_space<vmem>>, %arg3: memref<2x160xf32, #tpu.memory_space<vmem>>) attributes {dimension_semantics = [#tpu.dimension_semantics<arbitrary>], iteration_bounds = array<i64: 14>, scalar_prefetch = 0 : i64, scratch_operands = 1 : i64, tpu.core_type = #tpu.core_type<tc>, window_params = [{transform_indices = @transform_0, window_bounds = array<i64: 2, 160, 3584>}, {pipeline_mode = #tpu.pipeline_mode<synchronous>, transform_indices = @transform_1, window_bounds = array<i64: 2, 160>}]} {
    %eq3A = arith.constant 0 : i32
    %eq3A_0 = arith.cmpi eq, %arg0, %eq3A : i32
    %convert_element_type3A = arith.extui %eq3A_0 : i1 to i32
    %cond3A = arith.constant 0 : i32
    %cond3A_1 = arith.cmpi ne, %convert_element_type3A, %cond3A : i32
    scf.if %cond3A_1 {
      %broadcast_in_dim3A = arith.constant 0.000000e+00 : f32
      %broadcast_in_dim3A_16 = vector.broadcast %broadcast_in_dim3A : f32 to vector<2x160xf32>
      %swap3A_17 = arith.constant 0 : index
      %swap3A_18 = arith.constant 0 : index
      %swap3A_19 = vector.load %arg3[%swap3A_17, %swap3A_18] : memref<2x160xf32, #tpu.memory_space<vmem>>, vector<2x160xf32>
      tpu.vector_store %arg3[%swap3A_17, %swap3A_18], %broadcast_in_dim3A_16 {strides = array<i32>} : memref<2x160xf32, #tpu.memory_space<vmem>>, vector<2x160xf32>,
    } else {
    }
    %get3A = arith.constant 0 : index
    %get3A_2 = arith.constant 0 : index
    %get3A_3 = vector.load %arg3[%get3A, %get3A_2] : memref<2x160xf32, #tpu.memory_space<vmem>>, vector<2x160xf32>
    %get3A_4 = arith.constant 0 : index
    %get3A_5 = arith.constant 0 : index
    %get3A_6 = arith.constant 0 : index
    %get3A_7 = vector.load %arg1[%get3A_4, %get3A_5, %get3A_6] : memref<2x160x3584xf32, #tpu.memory_space<vmem>>, vector<2x160x3584xf32>
    %reduce_sum3A = arith.constant dense<0.000000e+00> : vector<2x160xf32>
    %reduce_sum3A_8 = vector.multi_reduction <add>, %get3A_7, %reduce_sum3A [2] : vector<2x160x3584xf32> to vector<2x160xf32>
    %add3A = arith.addf %get3A_3, %reduce_sum3A_8 : vector<2x160xf32>
    %swap3A = arith.constant 0 : index
    %swap3A_9 = arith.constant 0 : index
    %swap3A_10 = vector.load %arg3[%swap3A, %swap3A_9] : memref<2x160xf32, #tpu.memory_space<vmem>>, vector<2x160xf32>
    tpu.vector_store %arg3[%swap3A, %swap3A_9], %add3A {strides = array<i32>} : memref<2x160xf32, #tpu.memory_space<vmem>>, vector<2x160xf32>,
    %eq3A_11 = arith.constant 13 : i32
    %eq3A_12 = arith.cmpi eq, %arg0, %eq3A_11 : i32
    %convert_element_type3A_13 = arith.extui %eq3A_12 : i1 to i32
    %cond3A_14 = arith.constant 0 : i32
    %cond3A_15 = arith.cmpi ne, %convert_element_type3A_13, %cond3A_14 : i32
    scf.if %cond3A_15 {
      %get3A_16 = arith.constant 0 : index
      %get3A_17 = arith.constant 0 : index
      %get3A_18 = vector.load %arg3[%get3A_16, %get3A_17] : memref<2x160xf32, #tpu.memory_space<vmem>>, vector<2x160xf32>
      %swap3A_19 = arith.constant 0 : index
      %swap3A_20 = arith.constant 0 : index
      %swap3A_21 = vector.load %arg2[%swap3A_19, %swap3A_20] : memref<2x160xf32, #tpu.memory_space<vmem>>, vector<2x160xf32>
      tpu.vector_store %arg2[%swap3A_19, %swap3A_20], %get3A_18 {strides = array<i32>} : memref<2x160xf32, #tpu.memory_space<vmem>>, vector<2x160xf32>,
    } else {
    }
    return
  }
  func.func @transform_0(%arg0: i32) -> (i32, i32, i32) {
    %c0_i32 = arith.constant 0 : i32
    %c0_i32_0 = arith.constant 0 : i32
    %c0_i32_1 = arith.constant 0 : i32
    return %c0_i32, %c0_i32_0, %arg0 : i32, i32, i32
  }
  func.func @transform_1(%arg0: i32) -> (i32, i32) {
    %c0_i32 = arith.constant 0 : i32
    %c0_i32_0 = arith.constant 0 : i32
    %c0_i32_1 = arith.constant 0 : i32
    return %c0_i32, %c0_i32_0 : i32, i32
  }
}

module attributes {stable_mosaic.version = 14 : i64} {
  func.func @_combine_body(%arg0: memref<2x160xf32, #tpu.memory_space<vmem>>, %arg1: memref<2x32x16xf32, #tpu.memory_space<vmem>>, %arg2: memref<8x192xf32, #tpu.memory_space<vmem>>, %arg3: memref<1x8xf32, #tpu.memory_space<vmem>>, %arg4: memref<1x2xi32, #tpu.memory_space<vmem>>) attributes {dimension_semantics = [], scalar_prefetch = 0 : i64, scratch_operands = 0 : i64, tpu.core_type = #tpu.core_type<tc>} {
    %get3A = arith.constant 0 : index
    %get3A_0 = arith.constant 0 : index
    %get3A_1 = vector.load %arg2[%get3A, %get3A_0] : memref<8x192xf32, #tpu.memory_space<vmem>>, vector<8x160xf32>
    %get3A_2 = arith.constant 0 : index
    %get3A_3 = arith.constant 160 : index
    %get3A_4 = vector.load %arg2[%get3A_2, %get3A_3] : memref<8x192xf32, #tpu.memory_space<vmem>>, vector<8x32xf32>
    %get3A_5 = arith.constant 0 : index
    %get3A_6 = arith.constant 0 : index
    %get3A_7 = vector.load %arg0[%get3A_5, %get3A_6] : memref<2x160xf32, #tpu.memory_space<vmem>>, vector<2x160xf32>
    %dot_general3A = arith.constant dense<0.000000e+00> : vector<2x8xf32>
    %dot_general3A_8 = tpu.matmul %get3A_7, %get3A_1, %dot_general3A {dimension_numbers = #tpu.dot_dimension_numbers<[1], [1], [0], [0], [0, 0, 1, 0], [], []>, transpose_lhs_hint = false} : vector<2x160xf32>, vector<8x160xf32>, vector<2x8xf32> -> vector<2x8xf32>
    %get3A_9 = arith.constant 0 : index
    %get3A_10 = arith.constant 0 : index
    %get3A_11 = arith.constant 0 : index
    %get3A_12 = vector.load %arg1[%get3A_9, %get3A_10, %get3A_11] : memref<2x32x16xf32, #tpu.memory_space<vmem>>, vector<2x32x16xf32>
    %reduce_sum3A = arith.constant dense<0.000000e+00> : vector<2x32xf32>
    %reduce_sum3A_13 = vector.multi_reduction <add>, %get3A_12, %reduce_sum3A [2] : vector<2x32x16xf32> to vector<2x32xf32>
    %dot_general3A_14 = arith.constant dense<0.000000e+00> : vector<2x8xf32>
    %dot_general3A_15 = tpu.matmul %reduce_sum3A_13, %get3A_4, %dot_general3A_14 {dimension_numbers = #tpu.dot_dimension_numbers<[1], [1], [0], [0], [0, 0, 1, 0], [], []>, transpose_lhs_hint = false} : vector<2x32xf32>, vector<8x32xf32>, vector<2x8xf32> -> vector<2x8xf32>
    %add3A = arith.addf %dot_general3A_8, %dot_general3A_15 : vector<2x8xf32>
    %mul3A = arith.constant 1.99298465E-5 : f32
    %mul3A_16 = vector.broadcast %mul3A : f32 to vector<2x8xf32>
    %mul3A_17 = arith.mulf %add3A, %mul3A_16 : vector<2x8xf32>
    %get3A_18 = arith.constant 0 : index
    %get3A_19 = arith.constant 0 : index
    %get3A_20 = vector.load %arg3[%get3A_18, %get3A_19] : memref<1x8xf32, #tpu.memory_space<vmem>>, vector<1x8xf32>
    %add3A_21 = vector.broadcast %get3A_20 : vector<1x8xf32> to vector<2x8xf32>
    %add3A_22 = arith.addf %mul3A_17, %add3A_21 : vector<2x8xf32>
    %reduce_max3A = arith.constant dense<0xFF800000> : vector<2xf32>
    %reduce_max3A_23 = vector.multi_reduction <maximumf>, %add3A_22, %reduce_max3A [1] : vector<2x8xf32> to vector<2xf32>
    %broadcast_in_dim3A = vector.shape_cast %reduce_max3A_23 : vector<2xf32> to vector<2x1xf32>
    %iota3A = tpu.iota {dimensions = array<i32: 1>} : vector<2x8xi32>
    %eq3A = vector.broadcast %broadcast_in_dim3A : vector<2x1xf32> to vector<2x8xf32>
    %eq3A_24 = arith.cmpf oeq, %add3A_22, %eq3A : vector<2x8xf32>
    %jit3A = arith.constant 8 : i32
    %broadcast_in_dim3A_25 = vector.broadcast %jit3A : i32 to vector<2x8xi32>
    %select_n3A = arith.select %eq3A_24, %iota3A, %broadcast_in_dim3A_25 : vector<2x8xi1>, vector<2x8xi32>
    %reduce_min3A = arith.constant dense<2147483647> : vector<2xi32>
    %reduce_min3A_26 = vector.multi_reduction <minsi>, %select_n3A, %reduce_min3A [1] : vector<2x8xi32> to vector<2xi32>
    %swap3A = arith.constant 0 : index
    %swap3A_27 = arith.constant 0 : index
    %swap3A_28 = vector.load %arg4[%swap3A, %swap3A_27] : memref<1x2xi32, #tpu.memory_space<vmem>>, vector<1x2xi32>
    %swap3A_29 = vector.shape_cast %swap3A_28 : vector<1x2xi32> to vector<2xi32>
    %swap3A_30 = vector.shape_cast %reduce_min3A_26 : vector<2xi32> to vector<1x2xi32>
    tpu.vector_store %arg4[%swap3A, %swap3A_27], %swap3A_30 {strides = array<i32>} : memref<1x2xi32, #tpu.memory_space<vmem>>, vector<1x2xi32>,
    return
  }
}

module attributes {stable_mosaic.version = 14 : i64} {
  func.func @_expert_body(%arg0: i32, %arg1: memref<2xi32, #tpu.memory_space<smem>>, %arg2: memref<2x192x3584xf32, #tpu.memory_space<vmem>>, %arg3: memref<1x192x192xf32, #tpu.memory_space<vmem>>, %arg4: memref<1x192x192xf32, #tpu.memory_space<vmem>>, %arg5: memref<1x192x1xf32, #tpu.memory_space<vmem>>, %arg6: memref<1x192x1xf32, #tpu.memory_space<vmem>>, %arg7: memref<4x192x3584xf32, #tpu.memory_space<vmem>>) attributes {dimension_semantics = [#tpu.dimension_semantics<arbitrary>], iteration_bounds = array<i64: 14>, scalar_prefetch = 1 : i64, scratch_operands = 0 : i64, tpu.core_type = #tpu.core_type<tc>, window_params = [{transform_indices = @transform_0, window_bounds = array<i64: 2, 192, 3584>}, {transform_indices = @transform_1, window_bounds = array<i64: 1, 192, 192>}, {transform_indices = @transform_2, window_bounds = array<i64: 1, 192, 192>}, {transform_indices = @transform_3, window_bounds = array<i64: 1, 192, 1>}, {transform_indices = @transform_4, window_bounds = array<i64: 1, 192, 1>}, {transform_indices = @transform_5, window_bounds = array<i64: 4, 192, 3584>}]} {
    %get3A = arith.constant 0 : index
    %get3A_0 = arith.constant 0 : index
    %get3A_1 = arith.constant 0 : index
    %get3A_2 = vector.load %arg3[%get3A, %get3A_0, %get3A_1] : memref<1x192x192xf32, #tpu.memory_space<vmem>>, vector<1x192x192xf32>
    %get3A_3 = vector.shape_cast %get3A_2 : vector<1x192x192xf32> to vector<192x192xf32>
    %get3A_4 = arith.constant 0 : index
    %get3A_5 = arith.constant 0 : index
    %get3A_6 = arith.constant 0 : index
    %get3A_7 = vector.load %arg5[%get3A_4, %get3A_5, %get3A_6] : memref<1x192x1xf32, #tpu.memory_space<vmem>>, vector<1x192x1xf32>
    %get3A_8 = vector.shape_cast %get3A_7 : vector<1x192x1xf32> to vector<192x1xf32>
    %get3A_9 = arith.constant 0 : index
    %get3A_10 = arith.constant 0 : index
    %get3A_11 = arith.constant 0 : index
    %get3A_12 = vector.load %arg2[%get3A_9, %get3A_10, %get3A_11] : memref<2x192x3584xf32, #tpu.memory_space<vmem>>, vector<1x192x3584xf32>
    %get3A_13 = vector.shape_cast %get3A_12 : vector<1x192x3584xf32> to vector<192x3584xf32>
    %dot_general3A = arith.constant dense<0.000000e+00> : vector<192x3584xf32>
    %dot_general3A_14 = tpu.matmul %get3A_3, %get3A_13, %dot_general3A {dimension_numbers = #tpu.dot_dimension_numbers<[1], [0], [0], [1], [0, 0, 1, 1], [], []>, transpose_lhs_hint = false} : vector<192x192xf32>, vector<192x3584xf32>, vector<192x3584xf32> -> vector<192x3584xf32>
    %add3A = vector.broadcast %get3A_8 : vector<192x1xf32> to vector<192x3584xf32>
    %add3A_15 = arith.addf %dot_general3A_14, %add3A : vector<192x3584xf32>
    %swap3A = arith.constant 0 : index
    %swap3A_16 = arith.constant 0 : index
    %swap3A_17 = arith.constant 0 : index
    %swap3A_18 = vector.load %arg7[%swap3A, %swap3A_16, %swap3A_17] : memref<4x192x3584xf32, #tpu.memory_space<vmem>>, vector<1x192x3584xf32>
    %swap3A_19 = vector.shape_cast %swap3A_18 : vector<1x192x3584xf32> to vector<192x3584xf32>
    %swap3A_20 = vector.shape_cast %add3A_15 : vector<192x3584xf32> to vector<1x192x3584xf32>
    tpu.vector_store %arg7[%swap3A, %swap3A_16, %swap3A_17], %swap3A_20 {strides = array<i32>} : memref<4x192x3584xf32, #tpu.memory_space<vmem>>, vector<1x192x3584xf32>,
    %get3A_21 = arith.constant 1 : index
    %get3A_22 = arith.constant 0 : index
    %get3A_23 = arith.constant 0 : index
    %get3A_24 = vector.load %arg2[%get3A_21, %get3A_22, %get3A_23] : memref<2x192x3584xf32, #tpu.memory_space<vmem>>, vector<1x192x3584xf32>
    %get3A_25 = vector.shape_cast %get3A_24 : vector<1x192x3584xf32> to vector<192x3584xf32>
    %dot_general3A_26 = arith.constant dense<0.000000e+00> : vector<192x3584xf32>
    %dot_general3A_27 = tpu.matmul %get3A_3, %get3A_25, %dot_general3A_26 {dimension_numbers = #tpu.dot_dimension_numbers<[1], [0], [0], [1], [0, 0, 1, 1], [], []>, transpose_lhs_hint = false} : vector<192x192xf32>, vector<192x3584xf32>, vector<192x3584xf32> -> vector<192x3584xf32>
    %add3A_28 = vector.broadcast %get3A_8 : vector<192x1xf32> to vector<192x3584xf32>
    %add3A_29 = arith.addf %dot_general3A_27, %add3A_28 : vector<192x3584xf32>
    %swap3A_30 = arith.constant 1 : index
    %swap3A_31 = arith.constant 0 : index
    %swap3A_32 = arith.constant 0 : index
    %swap3A_33 = vector.load %arg7[%swap3A_30, %swap3A_31, %swap3A_32] : memref<4x192x3584xf32, #tpu.memory_space<vmem>>, vector<1x192x3584xf32>
    %swap3A_34 = vector.shape_cast %swap3A_33 : vector<1x192x3584xf32> to vector<192x3584xf32>
    %swap3A_35 = vector.shape_cast %add3A_29 : vector<192x3584xf32> to vector<1x192x3584xf32>
    tpu.vector_store %arg7[%swap3A_30, %swap3A_31, %swap3A_32], %swap3A_35 {strides = array<i32>} : memref<4x192x3584xf32, #tpu.memory_space<vmem>>, vector<1x192x3584xf32>,
    %get3A_36 = arith.constant 0 : index
    %get3A_37 = arith.constant 0 : index
    %get3A_38 = arith.constant 0 : index
    %get3A_39 = vector.load %arg4[%get3A_36, %get3A_37, %get3A_38] : memref<1x192x192xf32, #tpu.memory_space<vmem>>, vector<1x192x192xf32>
    %get3A_40 = vector.shape_cast %get3A_39 : vector<1x192x192xf32> to vector<192x192xf32>
    %get3A_41 = arith.constant 0 : index
    %get3A_42 = arith.constant 0 : index
    %get3A_43 = arith.constant 0 : index
    %get3A_44 = vector.load %arg6[%get3A_41, %get3A_42, %get3A_43] : memref<1x192x1xf32, #tpu.memory_space<vmem>>, vector<1x192x1xf32>
    %get3A_45 = vector.shape_cast %get3A_44 : vector<1x192x1xf32> to vector<192x1xf32>
    %get3A_46 = arith.constant 0 : index
    %get3A_47 = arith.constant 0 : index
    %get3A_48 = arith.constant 0 : index
    %get3A_49 = vector.load %arg2[%get3A_46, %get3A_47, %get3A_48] : memref<2x192x3584xf32, #tpu.memory_space<vmem>>, vector<1x192x3584xf32>
    %get3A_50 = vector.shape_cast %get3A_49 : vector<1x192x3584xf32> to vector<192x3584xf32>
    %dot_general3A_51 = arith.constant dense<0.000000e+00> : vector<192x3584xf32>
    %dot_general3A_52 = tpu.matmul %get3A_40, %get3A_50, %dot_general3A_51 {dimension_numbers = #tpu.dot_dimension_numbers<[1], [0], [0], [1], [0, 0, 1, 1], [], []>, transpose_lhs_hint = false} : vector<192x192xf32>, vector<192x3584xf32>, vector<192x3584xf32> -> vector<192x3584xf32>
    %add3A_53 = vector.broadcast %get3A_45 : vector<192x1xf32> to vector<192x3584xf32>
    %add3A_54 = arith.addf %dot_general3A_52, %add3A_53 : vector<192x3584xf32>
    %swap3A_55 = arith.constant 2 : index
    %swap3A_56 = arith.constant 0 : index
    %swap3A_57 = arith.constant 0 : index
    %swap3A_58 = vector.load %arg7[%swap3A_55, %swap3A_56, %swap3A_57] : memref<4x192x3584xf32, #tpu.memory_space<vmem>>, vector<1x192x3584xf32>
    %swap3A_59 = vector.shape_cast %swap3A_58 : vector<1x192x3584xf32> to vector<192x3584xf32>
    %swap3A_60 = vector.shape_cast %add3A_54 : vector<192x3584xf32> to vector<1x192x3584xf32>
    tpu.vector_store %arg7[%swap3A_55, %swap3A_56, %swap3A_57], %swap3A_60 {strides = array<i32>} : memref<4x192x3584xf32, #tpu.memory_space<vmem>>, vector<1x192x3584xf32>,
    %get3A_61 = arith.constant 1 : index
    %get3A_62 = arith.constant 0 : index
    %get3A_63 = arith.constant 0 : index
    %get3A_64 = vector.load %arg2[%get3A_61, %get3A_62, %get3A_63] : memref<2x192x3584xf32, #tpu.memory_space<vmem>>, vector<1x192x3584xf32>
    %get3A_65 = vector.shape_cast %get3A_64 : vector<1x192x3584xf32> to vector<192x3584xf32>
    %dot_general3A_66 = arith.constant dense<0.000000e+00> : vector<192x3584xf32>
    %dot_general3A_67 = tpu.matmul %get3A_40, %get3A_65, %dot_general3A_66 {dimension_numbers = #tpu.dot_dimension_numbers<[1], [0], [0], [1], [0, 0, 1, 1], [], []>, transpose_lhs_hint = false} : vector<192x192xf32>, vector<192x3584xf32>, vector<192x3584xf32> -> vector<192x3584xf32>
    %add3A_68 = vector.broadcast %get3A_45 : vector<192x1xf32> to vector<192x3584xf32>
    %add3A_69 = arith.addf %dot_general3A_67, %add3A_68 : vector<192x3584xf32>
    %swap3A_70 = arith.constant 3 : index
    %swap3A_71 = arith.constant 0 : index
    %swap3A_72 = arith.constant 0 : index
    %swap3A_73 = vector.load %arg7[%swap3A_70, %swap3A_71, %swap3A_72] : memref<4x192x3584xf32, #tpu.memory_space<vmem>>, vector<1x192x3584xf32>
    %swap3A_74 = vector.shape_cast %swap3A_73 : vector<1x192x3584xf32> to vector<192x3584xf32>
    %swap3A_75 = vector.shape_cast %add3A_69 : vector<192x3584xf32> to vector<1x192x3584xf32>
    tpu.vector_store %arg7[%swap3A_70, %swap3A_71, %swap3A_72], %swap3A_75 {strides = array<i32>} : memref<4x192x3584xf32, #tpu.memory_space<vmem>>, vector<1x192x3584xf32>,
    return
  }
  func.func @transform_0(%arg0: i32, %arg1: memref<2xi32, #tpu.memory_space<smem>>) -> (i32, i32, i32) {
    %c0_i32 = arith.constant 0 : i32
    %c0_i32_0 = arith.constant 0 : i32
    %c0_i32_1 = arith.constant 0 : i32
    return %c0_i32, %c0_i32_0, %arg0 : i32, i32, i32
  }
  func.func @transform_1(%arg0: i32, %arg1: memref<2xi32, #tpu.memory_space<smem>>) -> (i32, i32, i32) {
    %get3A = arith.constant 0 : index
    %get3A_0 = memref.load %arg1[%get3A] : memref<2xi32, #tpu.memory_space<smem>>
    %c0_i32 = arith.constant 0 : i32
    %c0_i32_1 = arith.constant 0 : i32
    %c0_i32_2 = arith.constant 0 : i32
    return %get3A_0, %c0_i32, %c0_i32_1 : i32, i32, i32
  }
  func.func @transform_2(%arg0: i32, %arg1: memref<2xi32, #tpu.memory_space<smem>>) -> (i32, i32, i32) {
    %get3A = arith.constant 1 : index
    %get3A_0 = memref.load %arg1[%get3A] : memref<2xi32, #tpu.memory_space<smem>>
    %c0_i32 = arith.constant 0 : i32
    %c0_i32_1 = arith.constant 0 : i32
    %c0_i32_2 = arith.constant 0 : i32
    return %get3A_0, %c0_i32, %c0_i32_1 : i32, i32, i32
  }
  func.func @transform_3(%arg0: i32, %arg1: memref<2xi32, #tpu.memory_space<smem>>) -> (i32, i32, i32) {
    %get3A = arith.constant 0 : index
    %get3A_0 = memref.load %arg1[%get3A] : memref<2xi32, #tpu.memory_space<smem>>
    %c0_i32 = arith.constant 0 : i32
    %c0_i32_1 = arith.constant 0 : i32
    %c0_i32_2 = arith.constant 0 : i32
    return %get3A_0, %c0_i32, %c0_i32_1 : i32, i32, i32
  }
  func.func @transform_4(%arg0: i32, %arg1: memref<2xi32, #tpu.memory_space<smem>>) -> (i32, i32, i32) {
    %get3A = arith.constant 1 : index
    %get3A_0 = memref.load %arg1[%get3A] : memref<2xi32, #tpu.memory_space<smem>>
    %c0_i32 = arith.constant 0 : i32
    %c0_i32_1 = arith.constant 0 : i32
    %c0_i32_2 = arith.constant 0 : i32
    return %get3A_0, %c0_i32, %c0_i32_1 : i32, i32, i32
  }
  func.func @transform_5(%arg0: i32, %arg1: memref<2xi32, #tpu.memory_space<smem>>) -> (i32, i32, i32) {
    %c0_i32 = arith.constant 0 : i32
    %c0_i32_0 = arith.constant 0 : i32
    %c0_i32_1 = arith.constant 0 : i32
    return %c0_i32, %c0_i32_0, %arg0 : i32, i32, i32
  }
}

</mosaic_0001>

<sc_bundles>
// kernel: kernel.6.cloned.1.call-start
scs
__scs_entry_jumppad:
0x0: {  	(pc) =	sbr.rel $0x88, $3  }
0x1: {  	(tag) =	ssettag $0x0;
	lr =	simm.s32 $0x1  }
0x2: {  	[smem:$0x3F9C] =	sst lr;
	_ =	strace $0xD0000000  }
0x3: {  	_ = 	snop  }
0x4: {  	_ = 	snop  }
0x5: {  	_ = 	snop  }
0x6: {  	_ = 	snop  }
0x7: {  	_ = 	snop  }
__scs_overlays_trampoline_lowered:
0x8: {  	[smem:$0x3FAB] =	sst s0  }
0x9: {  	[smem:$0x3FAC] =	sst s1  }
0xa: {  	[smem:$0x3FAD] =	sst s2  }
0xb: {  	[smem:$0x3FAE] =	sst s3  }
0xc: {  	[smem:$0x3FAF] =	sst s4  }
0xd: {  	[smem:$0x3FB0] =	sst s5  }
0xe: {  	[smem:$0x3FB1] =	sst s6  }
0xf: {  	[smem:$0x3FB2] =	sst s7  }
0x10: {  	[smem:$0x3FB3] =	sst s8  }
0x11: {  	[smem:$0x3FB4] =	sst s9;
	s0 =	simm.s32 @!p0 $0x0  }
0x12: {  	s1 =	sld [smem:$0x3F9A];
	s0 =	simm.s32 @p0 $0x1  }
0x13: {  	[smem:$0x3FB5] =	sst s0;
	s0 =	simm.s32 @!p1 $0x0  }
0x14: {  	s2 =	sld [smem:$0x3F99];
	s0 =	simm.s32 @p1 $0x1  }
0x15: {  	[smem:$0x3FB6] =	sst s0;
	s0 =	simm.s32 @!p2 $0x0  }
0x16: {  	s3 =	sld [smem:$0x3FDB];
	s0 =	simm.s32 @p2 $0x1  }
0x17: {  	s4 =	simm.s32 $0x1BF5;
	[smem:$0x3FB8] =	sst s0  }
0x18: {  	s0 =	sld [smem:$0x3F9B];
	_ =	swait.ge [sflag:s4], $0x0  }
0x19: {  	s7 =	sld [smem:$0x3F9C]  }
0x1a: {  	s8 =	sadd.s32 $0xFFFFE003, lr  }
0x1b: {  	s9 =	sadd.s32 $0xFFFFFEF7, lr;
	s5 =	simm.s32 $0xFFFFFFFF;
	p2 =	slt.u32 s8, $0xFFFFF086  }
0x1c: {  	p1 =	slt.u32 s9, $0xF7A;
	s5 =	simm.s32 @!p2 $0x0  }
0x1d: {  	s5 =	simm.s32 @p1 $0x1;
	p0 =	seq.s32 s7, s2  }
0x1e: {  	s7 =	smul.u32 @!p0 $0xF7A, s2;
	p2 =	seq.s32 @!p0 s5, $0x0  }
0x1f: {  	s9 =	smul.u32 $0xF7A, s1;
	s8 =	simm.s32 @!p0 $0x1BF5;
	p2 =	por !p2, p0  }
0x20: {  	[sflag:s8] =	ssyncset.s32 @!p0 $0xFFFFF086;
	s6 =	sadd.s32 @!p0 s3, s7;
	s7 =	simm.s32 @!p0 $0x108  }
0x21: {  	s3 =	sadd.s32 s3, s9;
	s6 =	sadd.s32 @!p0 $0x88, s6;
	s7 =	simm.s32 @p2 $0x1082  }
0x22: {  	[simem:s7], [sflag:s8] =	dma.local @!p0 [hbm:s6], $0xF7A  }
0x23: {  	s9 =	sor.u32 $0xD0000000, s2;
	s6 =	simm.s32 $0x108;
	_ =	swait.ge @!p0 [sflag:s8], $0x0  }
0x24: {  	s3 =	sadd.s32 $0x88, s3;
	s6 =	simm.s32 @!p1 $0x1082;
	[sflag:s4] =	ssyncset.s32 $0xFFFFF086  }
0x25: {  	[simem:s6], [sflag:s4] =	dma.local [hbm:s3], $0xF7A  }
0x26: {  	[smem:$0x3F9C] =	sst s1;
	(tag) =	ssettag s2;
	_ =	strace s9  }
0x27: {  	s1 =	sld [smem:$0x3FAC]  }
0x28: {  	s2 =	sld [smem:$0x3FAD]  }
0x29: {  	s4 =	sld [smem:$0x3FAF]  }
0x2a: {  	p0 =	seq.s32 s5, $0x0;
	s5 =	sld [smem:$0x3FB0]  }
0x2b: {  	s6 =	sld [smem:$0x3FB1]  }
0x2c: {  	s7 =	sld [smem:$0x3FB2]  }
0x2d: {  	s3 =	simm.s32 $0x108;
	s8 =	sld [smem:$0x3FB3]  }
0x2e: {  	s3 =	simm.s32 @!p0 $0x1082;
	s9 =	sld [smem:$0x3FB4]  }
0x2f: {  	lr =	sadd.s32 s0, s3;
	s0 =	sld [smem:$0x3FAB]  }
0x30: {  	s3 =	sld [smem:$0x3FAE]  }
0x31: {  	[smem:$0x3FB7] =	sst s10  }
0x32: {  	s10 =	sld [smem:$0x3FB5];
	_ =	sdelay $0x3  }
0x33: {  	p0 =	seq.s32 s10, $0x1;
	s10 =	sld [smem:$0x3FB7];
	_ =	sdelay $0x3  }
0x34: {  	[smem:$0x3FB7] =	sst s10  }
0x35: {  	s10 =	sld [smem:$0x3FB6];
	_ =	sdelay $0x3  }
0x36: {  	p1 =	seq.s32 s10, $0x1;
	s10 =	sld [smem:$0x3FB7];
	_ =	sdelay $0x3  }
0x37: {  	[smem:$0x3FB7] =	sst s10  }
0x38: {  	s10 =	sld [smem:$0x3FB8]  }
0x39: {  	_ = 	snop;
	(pc) =	sbr.ind lr, $3  }
0x3a: {  	_ = 	snop  }
0x3b: {  	_ = 	snop  }
0x3c: {  	p2 =	seq.s32 s10, $0x1;
	s10 =	sld [smem:$0x3FB7]  }
0x3d: {  	_ =	shalt  }
0x3e: {  	_ =	shalt  }
0x3f: {  	_ =	shalt  }
0x40: {  	_ =	shalt  }
0x41: {  	_ =	shalt  }
0x42: {  	_ =	shalt  }
0x43: {  	_ =	shalt  }
0x44: {  	_ =	shalt  }
0x45: {  	_ =	shalt  }
0x46: {  	_ =	shalt  }
0x47: {  	_ =	shalt  }
0x48: {  	_ =	shalt  }
0x49: {  	_ =	shalt  }
0x4a: {  	_ =	shalt  }
0x4b: {  	_ =	shalt  }
0x4c: {  	_ =	shalt  }
0x4d: {  	_ =	shalt  }
0x4e: {  	_ =	shalt  }
0x4f: {  	_ =	shalt  }
0x50: {  	_ =	shalt  }
0x51: {  	_ =	shalt  }
0x52: {  	_ =	shalt  }
0x53: {  	_ =	shalt  }
0x54: {  	_ =	shalt  }
0x55: {  	_ =	shalt  }
0x56: {  	_ =	shalt  }
0x57: {  	_ =	shalt  }
0x58: {  	_ =	shalt  }
0x59: {  	_ =	shalt  }
0x5a: {  	_ =	shalt  }
0x5b: {  	_ =	shalt  }
0x5c: {  	_ =	shalt  }
0x5d: {  	_ =	shalt  }
0x5e: {  	_ =	shalt  }
0x5f: {  	_ =	shalt  }
0x60: {  	_ =	shalt  }
0x61: {  	_ =	shalt  }
0x62: {  	_ =	shalt  }
0x63: {  	_ =	shalt  }
0x64: {  	_ =	shalt  }
0x65: {  	_ =	shalt  }
0x66: {  	_ =	shalt  }
0x67: {  	_ =	shalt  }
0x68: {  	_ =	shalt  }
0x69: {  	_ =	shalt  }
0x6a: {  	_ =	shalt  }
0x6b: {  	_ =	shalt  }
0x6c: {  	_ =	shalt  }
0x6d: {  	_ =	shalt  }
0x6e: {  	_ =	shalt  }
0x6f: {  	_ =	shalt  }
0x70: {  	_ =	shalt  }
0x71: {  	_ =	shalt  }
0x72: {  	_ =	shalt  }
0x73: {  	_ =	shalt  }
0x74: {  	_ =	shalt  }
0x75: {  	_ =	shalt  }
0x76: {  	_ =	shalt  }
0x77: {  	_ =	shalt  }
0x78: {  	_ =	shalt  }
0x79: {  	_ =	shalt  }
0x7a: {  	_ =	shalt  }
0x7b: {  	_ =	shalt  }
0x7c: {  	_ =	shalt  }
0x7d: {  	_ =	shalt  }
0x7e: {  	_ =	shalt  }
0x7f: {  	_ =	shalt  }
0x80: {  	_ =	shalt  }
0x81: {  	_ =	shalt  }
0x82: {  	_ =	shalt  }
0x83: {  	_ =	shalt  }
0x84: {  	_ =	shalt  }
0x85: {  	_ =	shalt  }
0x86: {  	_ =	shalt  }
0x87: {  	_ =	shalt  }
.Lfunc_end0:
.L_simem_size_0:
called_computation_lowered:
.L_overlay_start_0:
0x88: {  	s2 =	sld [smem:$0x3FD9]  }
0x89: {  	s3 =	sld [smem:$0x3FFE];
	_ =	sdelay $0x1  }
0x8a: {  	s1 =	srdreg.scid  }
0x8b: {  	s0 =	sand.u32 $0x1, s1  }
0x8c: {  	s16 =	sshll.u32 s0, $0xA;
	s2 =	sadd.s32 s3, s2  }
0x8d: {  	s2 =	sadd.s32 s2, s16  }
0x8e: {  	[smem:$0x3FC3] =	sst s2  }
0x8f: {  	_ = 	snop  }
0x90: {  	(tm) =	ssettm $0x1  }
0x91: {  	s17 =	sld [smem:$0x3FFB];
	_ =	sdelay $0x3  }
0x92: {  	_ =	strace s17  }
0x93: {  	s2 =	sld [smem:$0x3FFC];
	_ =	sdelay $0x3  }
0x94: {  	_ =	strace s2  }
0x95: {  	s2 =	sld [smem:$0x3FFD];
	_ =	sdelay $0x3  }
0x96: {  	_ =	strace s2  }
0x97: {  	_ =	strace $0x8FFFFFFF  }
0x98: {  	s18 =	sld [smem:$0x3FDB];
	_ =	sdelay $0x1  }
0x99: {  	s19 =	simm.s32 $_scs_section_size  }
0x9a: {  	s4 =	simm.s32 $_size__tile_overlayer_lowered;
	s5 =	simm.s32 $_tile_overlayer_lowered  }
0x9b: {  	s22 =	simm.s32 $0x1BFF;
	s21 =	sshll.u32 s5, $0x1;
	s2 =	sadd.s32 s19, s18  }
0x9c: {  	s6 =	simm.s32 $0x0;
	s20 =	sshll.u32 s4, $0x1;
	s4 =	sadd.s32 s21, s2  }
0x9d: {  	[timem:s6], [sflag:s22] =	dma.local [hbm:s4], s20  }
0x9e: {  	_ =	swait.ge [sflag:s22], s20  }
0x9f: {  	s3 =	ssub.s32 $0x0, s20;
	[sflag:s22] =	ssyncset.done $0x0  }
0xa0: {  	[sflag:s22] =	ssyncadd.s32 s3;
	_ =	sdelay $0x1  }
0xa1: {  	s23 =	simm.s32 $0x1B8B  }
0xa2: {  	_ =	swait.ge [sflag:s23], $0x1  }
0xa3: {  	[sflag:s23] =	ssyncset.done $0x0  }
0xa4: {  	s25 =	simm.s32 $0x1B8E;
	s24 =	sld [smem:$0x3FFE];
	[sflag:s23] =	ssyncadd.s32 $0xFFFFFFFF  }
0xa5: {  	s26 =	simm.s32 $execute0_lowered;
	[smem:$0x3FD2] =	sst s25  }
0xa6: {  	s4 =	sshll.u32 s26, $0x1;
	_ =	strace $0x80000046;
	[dreg:$0x1] =	wrdreg $0xFFFFFFFF  }
0xa7: {  	s28 =	simm.s32 $_size_execute0_lowered;
	s2 =	sadd.s32 s2, s4;
	[dreg:$0x0] =	wrdreg $0x0  }
0xa8: {  	s4 =	sshll.u32 s28, $0x1;
	[dreg:$0x2] =	wrdreg s2  }
0xa9: {  	[dreg:$0x3] =	wrdreg s4  }
0xaa: {  	[dreg:$0x4] =	wrdreg $0xC0  }
0xab: {  	_ =	task [dreg:s6], $0x5FFFF  }
0xac: {  	[dreg:$0x1] =	wrdreg $0xFFFFFFFF  }
0xad: {  	[dreg:$0x0] =	wrdreg $0x60  }
0xae: {  	[dreg:$0x2] =	wrdreg s24  }
0xaf: {  	[dreg:$0x3] =	wrdreg $0x9  }
0xb0: {  	_ =	task.clear_ibuf [dreg:s6], $0x4FFFF;
	_ =	strace $0x90000046  }
0xb1: {  	s29 =	simm.s32 $0x9;
	_ =	strace $0x80000048  }
0xb2: {  	_ =	swait.ge [sflag:s29], $0x1  }
0xb3: {  	[sflag:s29] =	ssyncadd.s32 $0xFFFFFFFF  }
0xb4: {  	_ =	strace $0x90000048  }
0xb5: {  	_ =	sfence  }
0xb6: {  	s30 =	sld [smem:$0x0];
	_ =	sdelay $0x2  }
0xb7: {  	s31 =	sshll.u32 s1, $0xD;
	s1 =	sshrl.u32 s1, $0x2  }
0xb8: {  	s3 =	sand.u32 $0x4000, s31;
	s1 =	sadd.s32 s1, s30  }
0xb9: {  	s0 =	sor.u32 s3, s0;
	s1 =	sshll.u32 s1, $0x11  }
0xba: {  	s0 =	sor.u32 s1, s0  }
0xbb: {  	s0 =	sadd.s32 $0x8F2B, s0  }
0xbc: {  	[sflag:s0] =	ssyncadd.remote.s32 $0x1  }
0xbd: {  	_ =	sfence.sel $0xFFFF  }
0xbe: {  	[dreg:$0x0] =	wrdreg $0xFFFFFFFF;
	(pc) =	sbr.abs _section_cstart, $3  }
0xbf: {  	[dreg:$0x1] =	wrdreg $0xFFFFFFFF  }
0xc0: {  	_ =	task.clear_ibuf [dreg:s6], $0x2FFFF;
	_ =	strace $0x9FFFFFFF  }
0xc1: {  	(tm) =	ssettm $0x7FFFFFFF  }
tec
execute0_lowered:
.L_overlay_start_1:
0x0: {  	(tag) =	ssettag $0x1  }
0x1: {  	s5 =	rddreg [dreg:$0x0]  }
0x2: {  	s0 =	rddreg [dreg:$0x1]  }
0x3: {  	s2 =	simm.s32 $0x0;
	s1 =	srdreg.scid;
	s11 =	simm.s32 $0x3100  }
0x4: {  	s12 =	simm.s32 $0x3;
	s13 =	simm.s32 $0x0;
	[smem:$0x7FF] =	sst s2  }
0x5: {  	s6 =	sand.u32 $0x1, s1;
	s4 =	sadd.s32 $0xE00, s5;
	s5 =	sadd.s32 $0x24CE00, s5  }
0x6: {  	s1 =	stileid.u32;
	s7 =	smul.u32 $0xC0, s6;
	_ =	strace $0x80000047  }
0x7: {  	s8 =	ssub.s32 $0x2, s6;
	s3 =	sshll.u32 s1, $0x1;
	s30 =	sshll.u32 s6, $0xC  }
0x8: {  	s10 =	sshll.u32 s1, $0x8;
	s9 =	sshrl.u32 s8, $0x1;
	s7 =	sor.u32 s3, s7  }
0x9: {  	s31 =	sand.u32 $0xC00, s10;
	s10 =	simm.s32 $0x2;
	s7 =	sadd.s32 $0xA0, s7  }
0xa: {  	s8 =	ssub.s32 s8, s9;
	s9 =	simm.s32 $0x1;
	s7 =	sshrl.u32 s7, $0x3  }
0xb: {  	v0 =	vimm.f32 $0.0e+00;
	s6 =	smax.u32 s8, $0x1;
	s8 =	sor.u32 s30, s31;
	s7 =	smul.u32 $0x62000, s7  }
.LBB2_1:
0xc: {  	p1 =	por $0x1, $0x1;
	s14 =	simm.s32 $0x0  }
.LBB2_2:
0xd: {  	s14 =	sor.u32 s14, s3  }
0xe: {  	s14 =	sshll.u32 s14, $0x7  }
0xf: {  	s14 =	sand.u32 $0x380, s14  }
0x10: {  	[tilespmem:$0x3100] =	vst v0;
	s15 =	sor.u32 s14, s7  }
0x11: {  	[tilespmem:$0x3180] =	vst v0;
	s15 =	sshrl.u32 s15, $0x3  }
0x12: {  	[tilespmem:$0x3200] =	vst v0;
	s16 =	simm.s32 $0x0;
	p0 =	por p1, p1;
	s15 =	sadd.s32 s4, s15  }
0x13: {  	[tilespmem:$0x3280] =	vst v0;
	s17 =	simm.s32 $0x80;
	s18 =	simm.s32 $0x100;
	s19 =	sadd.s32 $0x0, s15  }
.LBB2_3:
0x14: {  	[tilespmem:s16], [sflag:$0x1] =	stream.linear.gather [hbm4b:s19+s2], $0x80, $0x38;
	[tilespmem:$0x3300] =	vst v63  }
0x15: {  	s19 =	smov.u32 s17;
	s16 =	smov.u32 s18;
	p1 =	seq.s32 s17, $0x1800  }
.Ltmp0:
0x16: {  	s17 =	sadd.s32 $0x80, s17;
	(pc) =	sbr.rel @!p1 .LBB2_3-.Ltmp0, $2  }
0x17: {  	_ =	sdelay $0x2  }
0x18: {  	s18 =	sadd.s32 $0x100, s18;
	s19 =	sadd.s32 s19, s15  }
0x19: {  	[tilespmem:s16], [sflag:$0x1] =	stream.linear.gather [hbm4b:s19+s2], $0x80, $0x38;
	[tilespmem:$0x3300] =	vst v63  }
0x1a: {  	s31 =	sadd.s32 s14, s7  }
0x1b: {  	s17 =	simm.s32 $0x0;
	s15 =	sadd.s32 $0xC400, s31;
	s16 =	sadd.s32 $0x18800, s31  }
.LBB2_6:
0x1c: {  	s18 =	smul.u32 $0x18800, s17;
	_ =	sdelay $0x1  }
0x1d: {  	s19 =	sadd.s32 s18, s15  }
0x1e: {  	s19 =	sshrl.u32 s19, $0x3  }
0x1f: {  	s20 =	simm.s32 $0x80;
	s19 =	sadd.s32 s4, s19  }
0x20: {  	s21 =	simm.s32 $0x80;
	s22 =	simm.s32 $0x180;
	s23 =	sadd.s32 $0x0, s19  }
.LBB2_7:
0x21: {  	[tilespmem:s20], [sflag:$0x2] =	stream.linear.gather [hbm4b:s23+s2], $0x80, $0x38;
	[tilespmem:$0x3300] =	vst v63  }
0x22: {  	s23 =	smov.u32 s21;
	s20 =	smov.u32 s22;
	p1 =	sne.s32 s21, $0x1800  }
.Ltmp1:
0x23: {  	s21 =	sadd.s32 $0x80, s21;
	(pc) =	sbr.rel @p1 .LBB2_7-.Ltmp1, $2  }
0x24: {  	_ =	sdelay $0x2  }
0x25: {  	s22 =	sadd.s32 $0x100, s22;
	s23 =	sadd.s32 s23, s19  }
0x26: {  	[tilespmem:s20], [sflag:$0x2] =	stream.linear.gather [hbm4b:s23+s2], $0x80, $0x38;
	[tilespmem:$0x3300] =	vst v63  }
0x27: {  	_ =	swait.ge [sflag:s9], $0x1880  }
0x28: {  	s19 =	simm.s32 $0x0;
	[sflag:s9] =	ssyncset.done $0x0  }
0x29: {  	s30 =	sand.u32 $0x40, s19;
	s19 =	sand.u32 $0x3F00, s19;
	[sflag:s9] =	ssyncadd.s32 $0xFFFFE780  }
0x2a: {  	s19 =	sor.u32 s30, s19;
	v1 =	vld [tilespmem:$0x3100]  }
0x2b: {  	v2 =	vld [tilespmem:s19+$0x0];
	_ =	sdelay $0x4  }
0x2c: {  	v1 =	vadd.f32 v2, v1;
	_ =	sdelay $0x1  }
0x2d: {  	v2 =	vld [tilespmem:$0x3180];
	[tilespmem:$0x3100] =	vst v1  }
0x2e: {  	v3 =	vld [tilespmem:s19+$0x10];
	_ =	sdelay $0x4  }
0x2f: {  	v2 =	vadd.f32 v3, v2;
	_ =	sdelay $0x1  }
0x30: {  	v3 =	vld [tilespmem:$0x3200];
	[tilespmem:$0x3180] =	vst v2  }
0x31: {  	v4 =	vld [tilespmem:s19+$0x20];
	_ =	sdelay $0x4  }
0x32: {  	v3 =	vadd.f32 v4, v3;
	_ =	sdelay $0x1  }
0x33: {  	v4 =	vld [tilespmem:$0x3280];
	[tilespmem:$0x3200] =	vst v3  }
0x34: {  	v5 =	vld [tilespmem:s19+$0x30];
	_ =	sdelay $0x4  }
0x35: {  	s31 =	simm.s32 $0x40;
	s19 =	simm.s32 $0x80;
	v4 =	vadd.f32 v5, v4  }
0x36: {  	s20 =	simm.s32 $0x80;
	s21 =	sand.u32 $0x40, s31;
	s22 =	sand.u32 $0x3F00, s19  }
.LBB2_9:
0x37: {  	p1 =	sne.s32 s20, $0x1840;
	s21 =	sor.u32 s21, s22;
	[tilespmem:$0x3280] =	vst v4  }
0x38: {  	v5 =	vld [tilespmem:s21+$0x0];
	_ =	sdelay $0x4  }
0x39: {  	v1 =	vadd.f32 v5, v1;
	_ =	sdelay $0x1  }
0x3a: {  	[tilespmem:$0x3100] =	vst v1  }
0x3b: {  	v5 =	vld [tilespmem:s21+$0x10];
	_ =	sdelay $0x4  }
0x3c: {  	v2 =	vadd.f32 v5, v2;
	_ =	sdelay $0x1  }
0x3d: {  	[tilespmem:$0x3180] =	vst v2  }
0x3e: {  	v5 =	vld [tilespmem:s21+$0x20];
	_ =	sdelay $0x4  }
0x3f: {  	v3 =	vadd.f32 v5, v3;
	_ =	sdelay $0x1  }
0x40: {  	[tilespmem:$0x3200] =	vst v3  }
0x41: {  	v5 =	vld [tilespmem:s21+$0x30];
	_ =	sdelay $0x1  }
.Ltmp2:
0x42: {  	(pc) =	sbr.rel @p1 .LBB2_9-.Ltmp2, $3  }
0x43: {  	_ =	sdelay $0x1  }
0x44: {  	s19 =	sadd.s32 $0x80, s19;
	v4 =	vadd.f32 v5, v4  }
0x45: {  	s22 =	sand.u32 $0x3F00, s19;
	s21 =	sand.u32 $0x40, s20;
	s20 =	sadd.s32 $0x40, s20  }
0x46: {  	s19 =	sor.u32 s21, s22;
	[tilespmem:$0x3280] =	vst v4  }
0x47: {  	v5 =	vld [tilespmem:s19+$0x0];
	_ =	sdelay $0x4  }
0x48: {  	v1 =	vadd.f32 v5, v1;
	_ =	sdelay $0x1  }
0x49: {  	[tilespmem:$0x3100] =	vst v1  }
0x4a: {  	v1 =	vld [tilespmem:s19+$0x10];
	_ =	sdelay $0x4  }
0x4b: {  	v1 =	vadd.f32 v1, v2;
	_ =	sdelay $0x1  }
0x4c: {  	[tilespmem:$0x3180] =	vst v1  }
0x4d: {  	v1 =	vld [tilespmem:s19+$0x20];
	_ =	sdelay $0x4  }
0x4e: {  	v1 =	vadd.f32 v1, v3;
	_ =	sdelay $0x1  }
0x4f: {  	[tilespmem:$0x3200] =	vst v1  }
0x50: {  	v1 =	vld [tilespmem:s19+$0x30];
	_ =	sdelay $0x1  }
0x51: {  	p1 =	seq.s32 s17, $0x3  }
.Ltmp3:
0x52: {  	_ = 	snop;
	(pc) =	sbr.rel @p1 .LBB2_14-.Ltmp3, $3  }
0x53: {  	_ = 	snop  }
0x54: {  	v1 =	vadd.f32 v1, v4;
	_ =	sdelay $0x1  }
0x55: {  	[tilespmem:$0x3280] =	vst v1  }
0x56: {  	s18 =	sadd.s32 s18, s16  }
0x57: {  	s18 =	sshrl.u32 s18, $0x3  }
0x58: {  	s19 =	simm.s32 $0x0;
	s18 =	sadd.s32 s4, s18  }
0x59: {  	s20 =	simm.s32 $0x80;
	s21 =	simm.s32 $0x100;
	s22 =	sadd.s32 $0x0, s18  }
.LBB2_12:
0x5a: {  	[tilespmem:s19], [sflag:$0x1] =	stream.linear.gather [hbm4b:s22+s2], $0x80, $0x38;
	[tilespmem:$0x3300] =	vst v63  }
0x5b: {  	s22 =	smov.u32 s20;
	s19 =	smov.u32 s21;
	p1 =	sne.s32 s20, $0x1800  }
.Ltmp4:
0x5c: {  	s20 =	sadd.s32 $0x80, s20;
	(pc) =	sbr.rel @p1 .LBB2_12-.Ltmp4, $2  }
0x5d: {  	_ =	sdelay $0x2  }
0x5e: {  	s21 =	sadd.s32 $0x100, s21;
	s22 =	sadd.s32 s22, s18  }
0x5f: {  	[tilespmem:s19], [sflag:$0x1] =	stream.linear.gather [hbm4b:s22+s2], $0x80, $0x38;
	[tilespmem:$0x3300] =	vst v63  }
.LBB2_14:
0x60: {  	_ =	swait.ge [sflag:s10], $0x1880  }
0x61: {  	s18 =	simm.s32 $0x0;
	[sflag:s10] =	ssyncset.done $0x0  }
0x62: {  	s19 =	sand.u32 $0x40, s18;
	s18 =	sand.u32 $0x3F00, s18;
	[sflag:s10] =	ssyncadd.s32 $0xFFFFE780  }
0x63: {  	s18 =	sor.u32 s19, s18;
	v1 =	vld [tilespmem:$0x3100]  }
0x64: {  	v2 =	vld [tilespmem:s18+$0x80];
	_ =	sdelay $0x4  }
0x65: {  	v1 =	vadd.f32 v2, v1;
	_ =	sdelay $0x1  }
0x66: {  	v2 =	vld [tilespmem:$0x3180];
	[tilespmem:$0x3100] =	vst v1  }
0x67: {  	v3 =	vld [tilespmem:s18+$0x90];
	_ =	sdelay $0x4  }
0x68: {  	v2 =	vadd.f32 v3, v2;
	_ =	sdelay $0x1  }
0x69: {  	v3 =	vld [tilespmem:$0x3200];
	[tilespmem:$0x3180] =	vst v2  }
0x6a: {  	v4 =	vld [tilespmem:s18+$0xA0];
	_ =	sdelay $0x4  }
0x6b: {  	v3 =	vadd.f32 v4, v3;
	_ =	sdelay $0x1  }
0x6c: {  	v4 =	vld [tilespmem:$0x3280];
	[tilespmem:$0x3200] =	vst v3  }
0x6d: {  	v5 =	vld [tilespmem:s18+$0xB0];
	_ =	sdelay $0x4  }
0x6e: {  	s17 =	sadd.s32 $0x1, s17;
	s31 =	simm.s32 $0x40;
	s18 =	simm.s32 $0x80;
	v4 =	vadd.f32 v5, v4  }
0x6f: {  	s20 =	sand.u32 $0x40, s31;
	s19 =	simm.s32 $0x80;
	s21 =	sand.u32 $0x3F00, s18  }
.LBB2_15:
0x70: {  	p1 =	seq.s32 s19, $0x1840;
	s20 =	sor.u32 s20, s21;
	[tilespmem:$0x3280] =	vst v4  }
0x71: {  	v5 =	vld [tilespmem:s20+$0x80];
	_ =	sdelay $0x4  }
0x72: {  	v1 =	vadd.f32 v5, v1;
	_ =	sdelay $0x1  }
0x73: {  	[tilespmem:$0x3100] =	vst v1  }
0x74: {  	v5 =	vld [tilespmem:s20+$0x90];
	_ =	sdelay $0x4  }
0x75: {  	v2 =	vadd.f32 v5, v2;
	_ =	sdelay $0x1  }
0x76: {  	[tilespmem:$0x3180] =	vst v2  }
0x77: {  	v5 =	vld [tilespmem:s20+$0xA0];
	_ =	sdelay $0x4  }
0x78: {  	v3 =	vadd.f32 v5, v3;
	_ =	sdelay $0x1  }
0x79: {  	[tilespmem:$0x3200] =	vst v3  }
0x7a: {  	v5 =	vld [tilespmem:s20+$0xB0];
	_ =	sdelay $0x1  }
.Ltmp5:
0x7b: {  	(pc) =	sbr.rel @!p1 .LBB2_15-.Ltmp5, $3  }
0x7c: {  	_ =	sdelay $0x1  }
0x7d: {  	s18 =	sadd.s32 $0x80, s18;
	v4 =	vadd.f32 v5, v4  }
0x7e: {  	s21 =	sand.u32 $0x3F00, s18;
	s20 =	sand.u32 $0x40, s19;
	s19 =	sadd.s32 $0x40, s19  }
0x7f: {  	s18 =	sor.u32 s20, s21;
	[tilespmem:$0x3280] =	vst v4  }
0x80: {  	v5 =	vld [tilespmem:s18+$0x80];
	_ =	sdelay $0x4  }
0x81: {  	v1 =	vadd.f32 v5, v1;
	_ =	sdelay $0x1  }
0x82: {  	[tilespmem:$0x3100] =	vst v1  }
0x83: {  	v5 =	vld [tilespmem:s18+$0x90];
	_ =	sdelay $0x4  }
0x84: {  	v2 =	vadd.f32 v5, v2;
	_ =	sdelay $0x1  }
0x85: {  	[tilespmem:$0x3180] =	vst v2  }
0x86: {  	v5 =	vld [tilespmem:s18+$0xA0];
	_ =	sdelay $0x4  }
0x87: {  	v3 =	vadd.f32 v5, v3;
	_ =	sdelay $0x1  }
0x88: {  	[tilespmem:$0x3200] =	vst v3  }
0x89: {  	v5 =	vld [tilespmem:s18+$0xB0];
	_ =	sdelay $0x4  }
0x8a: {  	v4 =	vadd.f32 v5, v4;
	_ =	sdelay $0x1  }
0x8b: {  	[tilespmem:$0x3280] =	vst v4  }
0x8c: {  	p1 =	seq.s32 s17, $0x4  }
.Ltmp6:
0x8d: {  	_ = 	snop;
	(pc) =	sbr.rel @!p1 .LBB2_6-.Ltmp6, $1  }
0x8e: {  	_ =	sdelay $0x3  }
0x8f: {  	v1 =	vadd.f32 v2, v1;
	v2 =	vadd.f32 v4, v3;
	_ =	sdelay $0x1  }
0x90: {  	s14 =	sor.u32 s14, s8;
	v1 =	vadd.f32 v2, v1  }
0x91: {  	s14 =	sshrl.u32 s14, $0x3;
	[tilespmem:$0x3200] =	vst v2  }
.Ltmp7:
0x92: {  	s14 =	sadd.s32 s5, s14;
	[tilespmem:$0x3100] =	vst v1;
	(pc) =	sbr.rel @p0 .LBB2_2-.Ltmp7, $4  }
0x93: {  	[hbm4b:s14+s2] =	stream.linear.scatter [tilespmem:s11], [sflag:$0x3], $0x80, $0x38;
	[tilespmem:$0x3300] =	vst v63  }
0x94: {  	_ =	swait.ge [sflag:s12], $0x80  }
0x95: {  	[sflag:s12] =	ssyncset.done $0x0  }
0x96: {  	p1 =	por $0x0, $0x0;
	s14 =	simm.s32 $0x1;
	[sflag:s12] =	ssyncadd.s32 $0xFFFFFF80  }
0x97: {  	s13 =	sadd.s32 $0x1, s13  }
0x98: {  	p0 =	sne.s32 s13, s6  }
.Ltmp8:
0x99: {  	_ = 	snop;
	(pc) =	sbr.rel @p0 .LBB2_1-.Ltmp8, $1  }
0x9a: {  	_ =	sdelay $0x3  }
0x9b: {  	_ =	sfence.sel $0x180000  }
0x9c: {  	[bflag:$0x0] =	sbarrier.arrive $0xFFFF  }
0x9d: {  	p0 =	sne.s32 s1, $0x0;
	_ =	strace $0x90000047  }
0x9e: {  	s0 =	sadd.s32 @!p0 $0x100000, s0;
	[bflag:$0x2] =	sbarrier.arrive $0xFFFF  }
0x9f: {  	[sflag:s0] =	ssyncadd.tile.s32 @!p0 $0x1;
	_ =	shalt  }
.Lfunc_end2:
_tile_overlayer_lowered:
.L_overlay_start_2:
0xa0: {  	(tag) =	ssettag $0x2  }
0xa1: {  	s0 =	rddreg [dreg:$0x0];
	s2 =	stileid.u32  }
0xa2: {  	s1 =	rddreg [dreg:$0x1];
	p0 =	sne.s32 s2, $0x0  }
0xa3: {  	s3 =	rddreg [dreg:$0x2];
	[bflag:$0x3] =	sbarrier.arrive $0xFFFF;
	s2 =	simm.s32 @!p0 $0x1C04  }
0xa4: {  	[timem:s3], [sflag:s2] =	dma.local @!p0 [hbm:s0], s1  }
0xa5: {  	s0 =	simm.s32 @!p0 $0x4  }
0xa6: {  	_ =	swait.ge @!p0 [sflag:s0], s1  }
0xa7: {  	s1 =	ssub.s32 @!p0 $0x0, s1;
	[sflag:s0] =	ssyncset.done @!p0 $0x0  }
0xa8: {  	[sflag:s0] =	ssyncadd.s32 @!p0 s1  }
0xa9: {  	[bflag:$0x3] =	sbarrier.arrive $0xFFFF  }
0xaa: {  	_ =	shalt  }

</sc_bundles>
